<compile_context>
chip_gen: v7x
topology: tpu7x:2x2x1
jax: 0.10.2.dev20260603
libtpu: 0.0.44.dev20260713+nightly
codegen_flags: <defaults>
</compile_context>

<pallas_src>
import functools
import math

import jax
import jax.numpy as jnp
from jax import lax
from jax.experimental import pallas as pl
from jax.experimental.pallas import tpu as pltpu
from jax.experimental.pallas import tpu_sc as plsc

_SMOOTH = 0.1
_SEQ_LEN = 4096
_ROWS = 1024
_LANES = 16
_GW = 128


def _make_sc_gather(n_tok, c):
    info = plsc.get_sparse_core_info()
    nc, ns = info.num_cores, info.num_subcores
    nw = nc * ns
    per_w = n_tok // nw
    rows_per_tok = c // _GW
    n_chunks = per_w // 128

    mesh = plsc.VectorSubcoreMesh(core_axis_name="c", subcore_axis_name="s")

    @functools.partial(
        pl.kernel,
        mesh=mesh,
        out_type=jax.ShapeDtypeStruct((n_tok, _GW), jnp.float32),
        scratch_types=[
            pltpu.VMEM((per_w,), jnp.int32),
            pltpu.VMEM((n_chunks, 128), jnp.int32),
            pltpu.VMEM((per_w, _GW), jnp.float32),
            pltpu.SemaphoreType.DMA,
        ],
    )
    def sc_gather(x_rows_hbm, tgt_hbm, out_hbm, tgt_v, ridx_v, rows_v, sem):
        wid = lax.axis_index("s") * nc + lax.axis_index("c")
        base = wid * per_w
        pltpu.sync_copy(tgt_hbm.at[pl.ds(base, per_w)], tgt_v)

        lane_ids = lax.iota(jnp.int32, _LANES)
        for j in range(per_w // _LANES):
            t = tgt_v[pl.ds(j * _LANES, _LANES)]
            tok = base + j * _LANES + lane_ids
            row = (lax.shift_right_logical(tok, 3) * (8 * rows_per_tok)
                   + lax.shift_right_logical(t, 7) * 8
                   + lax.bitwise_and(tok, 7))
            ridx_v[j * _LANES // 128, pl.ds((j * _LANES) % 128, _LANES)] = row

        copies = [
            pltpu.async_copy(
                x_rows_hbm.at[ridx_v.at[h]],
                rows_v.at[pl.ds(h * 128, 128)],
                sem,
            )
            for h in range(n_chunks)
        ]
        for cp in copies:
            cp.wait()

        pltpu.sync_copy(rows_v, out_hbm.at[pl.ds(base, per_w)])

    return sc_gather


def _dense_body(x_ref, o_ref):
    i = pl.program_id(0)

    @pl.when(i == 0)
    def _():
        o_ref[0, 0] = jnp.float32(0.0)

    o_ref[0, 0] += jnp.sum(jnp.log(x_ref[...]))


def _combine_body(g_ref, t_ref, s_ref, o_ref, *, fill, conf, t1):
    rows = g_ref[...]
    n, l = rows.shape
    lane = lax.bitwise_and(t_ref[...], l - 1)
    col = lax.broadcasted_iota(jnp.int32, (n, l), 1)
    vals = jnp.sum(jnp.where(col == lane, rows, 0.0), axis=1)
    s_gath = jnp.sum(jnp.log(vals))
    o_ref[0, 0] = t1 - fill * s_ref[0, 0] - (conf - fill) * s_gath


def kernel(x, target, device):
    b, s, c = x.shape
    n = b * s
    fill = _SMOOTH / _SEQ_LEN
    conf = 1.0 - _SMOOTH
    t1 = n * ((c - 1) * fill * math.log(fill) + conf * math.log(conf))

    x2 = x.reshape(n, c)
    x_rows = (x.reshape(n // 8, 8, c // _GW, _GW)
               .transpose(0, 2, 1, 3)
               .reshape(n * c // _GW, _GW))
    tgt_flat = target.reshape(n).astype(jnp.int32)

    g = _make_sc_gather(n, c)(x_rows, tgt_flat)

    nblk = n // _ROWS
    s_all = pl.pallas_call(
        _dense_body,
        grid=(nblk,),
        in_specs=[pl.BlockSpec((_ROWS, c), lambda i: (i, 0))],
        out_specs=pl.BlockSpec((1, 1), lambda i: (0, 0),
                               memory_space=pltpu.SMEM),
        out_shape=jax.ShapeDtypeStruct((1, 1), jnp.float32),
    )(x2)

    return s_all[0, 0] + g[0, 0]

# --- scband reference (transcript-rebuilt; emitter-appended) ---
"""Pipeline reference for scband-label-smoothing-45346264711596 (READ-ONLY COPY).

The authoritative reference and input builder live on the scoring server;
editing this copy changes nothing except your own understanding.
"""

import jax, jax.numpy as jnp
import numpy as np

SEQ_LEN = 4096
SMOOTHING = 0.1

def setup_inputs(seed: int = 0) -> dict:
    key = jax.random.key(seed)
    k1, k2 = jax.random.split(key)
    x = jax.random.uniform(k1, (4, 2048, 4096), dtype=jnp.float32, minval=1e-6, maxval=1.0)
    target = jax.random.randint(k2, (4, 2048), 0, 4096, dtype=jnp.int64 if jax.config.jax_enable_x64 else jnp.int32)
    return {"x": x, "target": target, "device": 0}

def reference(x, target, device):
    # device is ignored in the jax translation (torch .to(device) is a no-op semantically)
    B, S, C = x.shape
    fill_val = SMOOTHING / SEQ_LEN
    true_dist = jnp.full((B, S, C), fill_val, dtype=x.dtype)
    bi = jnp.arange(B)[:, None]
    si = jnp.arange(S)[None, :]
    # scatter_(dim=2, index=target.unsqueeze(2), value=1-smoothing)
    true_dist = true_dist.at[bi, si, target].set(1.0 - SMOOTHING)
    log_x = jnp.log(x)
    # KLDivLoss(reduction='sum'): sum( true * (log(true) - log_x) )
    loss = jnp.sum(true_dist * (jnp.log(true_dist) - log_x))
    return loss

if __name__ == "__main__":
    import jax
    _d = setup_inputs()
    print(jax.jit(kernel)(*tuple(_d.values())))

</pallas_src>

<mosaic_0001>
#map = affine_map<(d0, d1) -> (0, 0)>
#map1 = affine_map<(d0, d1) -> (0)>
module attributes {stable_mosaic.version = 14 : i64} {
  func.func @sc_gather(%arg0: i32, %arg1: i32, %arg2: memref<262144x128xf32, #tpu.memory_space<hbm>>, %arg3: memref<8192xi32, #tpu.memory_space<hbm>>, %arg4: memref<8192x128xf32, #tpu.memory_space<hbm>>, %arg5: memref<256xi32, #tpu.memory_space<vmem>>, %arg6: memref<2x128xi32, #tpu.memory_space<vmem>>, %arg7: memref<256x128xf32, #tpu.memory_space<vmem>>, %arg8: memref<!tpu.dma_semaphore, #tpu.memory_space<semaphore_mem>>) attributes {dimension_semantics = [#tpu.dimension_semantics<core_parallel>, #tpu.dimension_semantics<subcore_parallel>], iteration_bounds = array<i64: 2, 16>, scalar_prefetch = 0 : i64, scratch_operands = 4 : i64, tpu.core_type = #tpu.core_type<sc_vector_subcore>, window_params = [{transform_indices = #map}, {transform_indices = #map1}, {transform_indices = #map}]} {
    %mul3A = arith.constant 2 : i32
    %mul3A_0 = arith.muli %arg1, %mul3A : i32
    %add3A = arith.addi %mul3A_0, %arg0 : i32
    %mul3A_1 = arith.constant 256 : i32
    %mul3A_2 = arith.muli %add3A, %mul3A_1 : i32
    "tpu.region"() ({
      %run_scoped3A = tpu.sem_alloc : memref<!tpu.dma_semaphore, #tpu.memory_space<semaphore_mem>>
      %dma_start3A_517 = tpu.memref_slice %arg3[%mul3A_2] : memref<8192xi32, #tpu.memory_space<hbm>> -> memref<256xi32, #tpu.memory_space<hbm>>
      %dma_start3A_518 = tpu.memref_slice %arg3[%mul3A_2] : memref<8192xi32, #tpu.memory_space<hbm>> -> memref<256xi32, #tpu.memory_space<hbm>>
      tpu.enqueue_dma source(%dma_start3A_518 : memref<256xi32, #tpu.memory_space<hbm>>) target(%arg5 : memref<256xi32, #tpu.memory_space<vmem>>) target_semaphore(%run_scoped3A : memref<!tpu.dma_semaphore, #tpu.memory_space<semaphore_mem>>)
      %dma_wait3A_519 = tpu.memref_slice %arg3[%mul3A_2] : memref<8192xi32, #tpu.memory_space<hbm>> -> memref<256xi32, #tpu.memory_space<hbm>>
      %dma_wait3A_520 = tpu.memref_slice %arg3[%mul3A_2] : memref<8192xi32, #tpu.memory_space<hbm>> -> memref<256xi32, #tpu.memory_space<hbm>>
      tpu.wait_dma2 semaphore(%run_scoped3A : memref<!tpu.dma_semaphore, #tpu.memory_space<semaphore_mem>>) src(%dma_wait3A_520 : memref<256xi32, #tpu.memory_space<hbm>>) dst(%arg5 : memref<256xi32, #tpu.memory_space<vmem>>)
      tpu.yield
    }) : () -> ()
    %iota3A = tpu.iota {dimensions = array<i32: 0>} : vector<16xi32>
    %get3A = arith.constant 0 : index
    %get3A_3 = tpu.vector_load %arg5[%get3A] {strides = array<i32>} : memref<256xi32, #tpu.memory_space<vmem>>, vector<16xi32>,
    %get3A_4 = vector.shape_cast %get3A_3 : vector<16xi32> to vector<16xi32>
    %add3A_5 = arith.constant 0 : i32
    %add3A_6 = arith.addi %mul3A_2, %add3A_5 : i32
    %add3A_7 = vector.broadcast %add3A_6 : i32 to vector<16xi32>
    %add3A_8 = arith.addi %add3A_7, %iota3A : vector<16xi32>
    %shift_right_logical3A = arith.constant 3 : i32
    %shift_right_logical3A_9 = vector.broadcast %shift_right_logical3A : i32 to vector<16xi32>
    %shift_right_logical3A_10 = arith.shrui %add3A_8, %shift_right_logical3A_9 : vector<16xi32>
    %mul3A_11 = arith.constant 256 : i32
    %mul3A_12 = vector.broadcast %mul3A_11 : i32 to vector<16xi32>
    %mul3A_13 = arith.muli %shift_right_logical3A_10, %mul3A_12 : vector<16xi32>
    %shift_right_logical3A_14 = arith.constant 7 : i32
    %shift_right_logical3A_15 = vector.broadcast %shift_right_logical3A_14 : i32 to vector<16xi32>
    %shift_right_logical3A_16 = arith.shrui %get3A_4, %shift_right_logical3A_15 : vector<16xi32>
    %mul3A_17 = arith.constant 8 : i32
    %mul3A_18 = vector.broadcast %mul3A_17 : i32 to vector<16xi32>
    %mul3A_19 = arith.muli %shift_right_logical3A_16, %mul3A_18 : vector<16xi32>
    %add3A_20 = arith.addi %mul3A_13, %mul3A_19 : vector<16xi32>
    %and3A = arith.constant 7 : i32
    %and3A_21 = vector.broadcast %and3A : i32 to vector<16xi32>
    %and3A_22 = arith.andi %add3A_8, %and3A_21 : vector<16xi32>
    %add3A_23 = arith.addi %add3A_20, %and3A_22 : vector<16xi32>
    %swap3A = arith.constant 0 : i32
    %swap3A_24 = arith.index_cast %swap3A : i32 to index
    %swap3A_25 = arith.constant 0 : index
    %swap3A_26 = tpu.vector_load %arg6[%swap3A_24, %swap3A_25] {strides = array<i32>} : memref<2x128xi32, #tpu.memory_space<vmem>>, vector<1x16xi32>,
    %swap3A_27 = vector.shape_cast %swap3A_26 : vector<1x16xi32> to vector<16xi32>
    %swap3A_28 = vector.shape_cast %add3A_23 : vector<16xi32> to vector<1x16xi32>
    tpu.vector_store %arg6[%swap3A_24, %swap3A_25], %swap3A_28 {strides = array<i32>} : memref<2x128xi32, #tpu.memory_space<vmem>>, vector<1x16xi32>,
    %get3A_29 = arith.constant 16 : index
    %get3A_30 = tpu.vector_load %arg5[%get3A_29] {strides = array<i32>} : memref<256xi32, #tpu.memory_space<vmem>>, vector<16xi32>,
    %get3A_31 = vector.shape_cast %get3A_30 : vector<16xi32> to vector<16xi32>
    %add3A_32 = arith.constant 16 : i32
    %add3A_33 = arith.addi %mul3A_2, %add3A_32 : i32
    %add3A_34 = vector.broadcast %add3A_33 : i32 to vector<16xi32>
    %add3A_35 = arith.addi %add3A_34, %iota3A : vector<16xi32>
    %shift_right_logical3A_36 = arith.constant 3 : i32
    %shift_right_logical3A_37 = vector.broadcast %shift_right_logical3A_36 : i32 to vector<16xi32>
    %shift_right_logical3A_38 = arith.shrui %add3A_35, %shift_right_logical3A_37 : vector<16xi32>
    %mul3A_39 = arith.constant 256 : i32
    %mul3A_40 = vector.broadcast %mul3A_39 : i32 to vector<16xi32>
    %mul3A_41 = arith.muli %shift_right_logical3A_38, %mul3A_40 : vector<16xi32>
    %shift_right_logical3A_42 = arith.constant 7 : i32
    %shift_right_logical3A_43 = vector.broadcast %shift_right_logical3A_42 : i32 to vector<16xi32>
    %shift_right_logical3A_44 = arith.shrui %get3A_31, %shift_right_logical3A_43 : vector<16xi32>
    %mul3A_45 = arith.constant 8 : i32
    %mul3A_46 = vector.broadcast %mul3A_45 : i32 to vector<16xi32>
    %mul3A_47 = arith.muli %shift_right_logical3A_44, %mul3A_46 : vector<16xi32>
    %add3A_48 = arith.addi %mul3A_41, %mul3A_47 : vector<16xi32>
    %and3A_49 = arith.constant 7 : i32
    %and3A_50 = vector.broadcast %and3A_49 : i32 to vector<16xi32>
    %and3A_51 = arith.andi %add3A_35, %and3A_50 : vector<16xi32>
    %add3A_52 = arith.addi %add3A_48, %and3A_51 : vector<16xi32>
    %swap3A_53 = arith.constant 0 : i32
    %swap3A_54 = arith.index_cast %swap3A_53 : i32 to index
    %swap3A_55 = arith.constant 16 : index
    %swap3A_56 = tpu.vector_load %arg6[%swap3A_54, %swap3A_55] {strides = array<i32>} : memref<2x128xi32, #tpu.memory_space<vmem>>, vector<1x16xi32>,
    %swap3A_57 = vector.shape_cast %swap3A_56 : vector<1x16xi32> to vector<16xi32>
    %swap3A_58 = vector.shape_cast %add3A_52 : vector<16xi32> to vector<1x16xi32>
    tpu.vector_store %arg6[%swap3A_54, %swap3A_55], %swap3A_58 {strides = array<i32>} : memref<2x128xi32, #tpu.memory_space<vmem>>, vector<1x16xi32>,
    %get3A_59 = arith.constant 32 : index
    %get3A_60 = tpu.vector_load %arg5[%get3A_59] {strides = array<i32>} : memref<256xi32, #tpu.memory_space<vmem>>, vector<16xi32>,
    %get3A_61 = vector.shape_cast %get3A_60 : vector<16xi32> to vector<16xi32>
    %add3A_62 = arith.constant 32 : i32
    %add3A_63 = arith.addi %mul3A_2, %add3A_62 : i32
    %add3A_64 = vector.broadcast %add3A_63 : i32 to vector<16xi32>
    %add3A_65 = arith.addi %add3A_64, %iota3A : vector<16xi32>
    %shift_right_logical3A_66 = arith.constant 3 : i32
    %shift_right_logical3A_67 = vector.broadcast %shift_right_logical3A_66 : i32 to vector<16xi32>
    %shift_right_logical3A_68 = arith.shrui %add3A_65, %shift_right_logical3A_67 : vector<16xi32>
    %mul3A_69 = arith.constant 256 : i32
    %mul3A_70 = vector.broadcast %mul3A_69 : i32 to vector<16xi32>
    %mul3A_71 = arith.muli %shift_right_logical3A_68, %mul3A_70 : vector<16xi32>
    %shift_right_logical3A_72 = arith.constant 7 : i32
    %shift_right_logical3A_73 = vector.broadcast %shift_right_logical3A_72 : i32 to vector<16xi32>
    %shift_right_logical3A_74 = arith.shrui %get3A_61, %shift_right_logical3A_73 : vector<16xi32>
    %mul3A_75 = arith.constant 8 : i32
    %mul3A_76 = vector.broadcast %mul3A_75 : i32 to vector<16xi32>
    %mul3A_77 = arith.muli %shift_right_logical3A_74, %mul3A_76 : vector<16xi32>
    %add3A_78 = arith.addi %mul3A_71, %mul3A_77 : vector<16xi32>
    %and3A_79 = arith.constant 7 : i32
    %and3A_80 = vector.broadcast %and3A_79 : i32 to vector<16xi32>
    %and3A_81 = arith.andi %add3A_65, %and3A_80 : vector<16xi32>
    %add3A_82 = arith.addi %add3A_78, %and3A_81 : vector<16xi32>
    %swap3A_83 = arith.constant 0 : i32
    %swap3A_84 = arith.index_cast %swap3A_83 : i32 to index
    %swap3A_85 = arith.constant 32 : index
    %swap3A_86 = tpu.vector_load %arg6[%swap3A_84, %swap3A_85] {strides = array<i32>} : memref<2x128xi32, #tpu.memory_space<vmem>>, vector<1x16xi32>,
    %swap3A_87 = vector.shape_cast %swap3A_86 : vector<1x16xi32> to vector<16xi32>
    %swap3A_88 = vector.shape_cast %add3A_82 : vector<16xi32> to vector<1x16xi32>
    tpu.vector_store %arg6[%swap3A_84, %swap3A_85], %swap3A_88 {strides = array<i32>} : memref<2x128xi32, #tpu.memory_space<vmem>>, vector<1x16xi32>,
    %get3A_89 = arith.constant 48 : index
    %get3A_90 = tpu.vector_load %arg5[%get3A_89] {strides = array<i32>} : memref<256xi32, #tpu.memory_space<vmem>>, vector<16xi32>,
    %get3A_91 = vector.shape_cast %get3A_90 : vector<16xi32> to vector<16xi32>
    %add3A_92 = arith.constant 48 : i32
    %add3A_93 = arith.addi %mul3A_2, %add3A_92 : i32
    %add3A_94 = vector.broadcast %add3A_93 : i32 to vector<16xi32>
    %add3A_95 = arith.addi %add3A_94, %iota3A : vector<16xi32>
    %shift_right_logical3A_96 = arith.constant 3 : i32
    %shift_right_logical3A_97 = vector.broadcast %shift_right_logical3A_96 : i32 to vector<16xi32>
    %shift_right_logical3A_98 = arith.shrui %add3A_95, %shift_right_logical3A_97 : vector<16xi32>
    %mul3A_99 = arith.constant 256 : i32
    %mul3A_100 = vector.broadcast %mul3A_99 : i32 to vector<16xi32>
    %mul3A_101 = arith.muli %shift_right_logical3A_98, %mul3A_100 : vector<16xi32>
    %shift_right_logical3A_102 = arith.constant 7 : i32
    %shift_right_logical3A_103 = vector.broadcast %shift_right_logical3A_102 : i32 to vector<16xi32>
    %shift_right_logical3A_104 = arith.shrui %get3A_91, %shift_right_logical3A_103 : vector<16xi32>
    %mul3A_105 = arith.constant 8 : i32
    %mul3A_106 = vector.broadcast %mul3A_105 : i32 to vector<16xi32>
    %mul3A_107 = arith.muli %shift_right_logical3A_104, %mul3A_106 : vector<16xi32>
    %add3A_108 = arith.addi %mul3A_101, %mul3A_107 : vector<16xi32>
    %and3A_109 = arith.constant 7 : i32
    %and3A_110 = vector.broadcast %and3A_109 : i32 to vector<16xi32>
    %and3A_111 = arith.andi %add3A_95, %and3A_110 : vector<16xi32>
    %add3A_112 = arith.addi %add3A_108, %and3A_111 : vector<16xi32>
    %swap3A_113 = arith.constant 0 : i32
    %swap3A_114 = arith.index_cast %swap3A_113 : i32 to index
    %swap3A_115 = arith.constant 48 : index
    %swap3A_116 = tpu.vector_load %arg6[%swap3A_114, %swap3A_115] {strides = array<i32>} : memref<2x128xi32, #tpu.memory_space<vmem>>, vector<1x16xi32>,
    %swap3A_117 = vector.shape_cast %swap3A_116 : vector<1x16xi32> to vector<16xi32>
    %swap3A_118 = vector.shape_cast %add3A_112 : vector<16xi32> to vector<1x16xi32>
    tpu.vector_store %arg6[%swap3A_114, %swap3A_115], %swap3A_118 {strides = array<i32>} : memref<2x128xi32, #tpu.memory_space<vmem>>, vector<1x16xi32>,
    %get3A_119 = arith.constant 64 : index
    %get3A_120 = tpu.vector_load %arg5[%get3A_119] {strides = array<i32>} : memref<256xi32, #tpu.memory_space<vmem>>, vector<16xi32>,
    %get3A_121 = vector.shape_cast %get3A_120 : vector<16xi32> to vector<16xi32>
    %add3A_122 = arith.constant 64 : i32
    %add3A_123 = arith.addi %mul3A_2, %add3A_122 : i32
    %add3A_124 = vector.broadcast %add3A_123 : i32 to vector<16xi32>
    %add3A_125 = arith.addi %add3A_124, %iota3A : vector<16xi32>
    %shift_right_logical3A_126 = arith.constant 3 : i32
    %shift_right_logical3A_127 = vector.broadcast %shift_right_logical3A_126 : i32 to vector<16xi32>
    %shift_right_logical3A_128 = arith.shrui %add3A_125, %shift_right_logical3A_127 : vector<16xi32>
    %mul3A_129 = arith.constant 256 : i32
    %mul3A_130 = vector.broadcast %mul3A_129 : i32 to vector<16xi32>
    %mul3A_131 = arith.muli %shift_right_logical3A_128, %mul3A_130 : vector<16xi32>
    %shift_right_logical3A_132 = arith.constant 7 : i32
    %shift_right_logical3A_133 = vector.broadcast %shift_right_logical3A_132 : i32 to vector<16xi32>
    %shift_right_logical3A_134 = arith.shrui %get3A_121, %shift_right_logical3A_133 : vector<16xi32>
    %mul3A_135 = arith.constant 8 : i32
    %mul3A_136 = vector.broadcast %mul3A_135 : i32 to vector<16xi32>
    %mul3A_137 = arith.muli %shift_right_logical3A_134, %mul3A_136 : vector<16xi32>
    %add3A_138 = arith.addi %mul3A_131, %mul3A_137 : vector<16xi32>
    %and3A_139 = arith.constant 7 : i32
    %and3A_140 = vector.broadcast %and3A_139 : i32 to vector<16xi32>
    %and3A_141 = arith.andi %add3A_125, %and3A_140 : vector<16xi32>
    %add3A_142 = arith.addi %add3A_138, %and3A_141 : vector<16xi32>
    %swap3A_143 = arith.constant 0 : i32
    %swap3A_144 = arith.index_cast %swap3A_143 : i32 to index
    %swap3A_145 = arith.constant 64 : index
    %swap3A_146 = tpu.vector_load %arg6[%swap3A_144, %swap3A_145] {strides = array<i32>} : memref<2x128xi32, #tpu.memory_space<vmem>>, vector<1x16xi32>,
    %swap3A_147 = vector.shape_cast %swap3A_146 : vector<1x16xi32> to vector<16xi32>
    %swap3A_148 = vector.shape_cast %add3A_142 : vector<16xi32> to vector<1x16xi32>
    tpu.vector_store %arg6[%swap3A_144, %swap3A_145], %swap3A_148 {strides = array<i32>} : memref<2x128xi32, #tpu.memory_space<vmem>>, vector<1x16xi32>,
    %get3A_149 = arith.constant 80 : index
    %get3A_150 = tpu.vector_load %arg5[%get3A_149] {strides = array<i32>} : memref<256xi32, #tpu.memory_space<vmem>>, vector<16xi32>,
    %get3A_151 = vector.shape_cast %get3A_150 : vector<16xi32> to vector<16xi32>
    %add3A_152 = arith.constant 80 : i32
    %add3A_153 = arith.addi %mul3A_2, %add3A_152 : i32
    %add3A_154 = vector.broadcast %add3A_153 : i32 to vector<16xi32>
    %add3A_155 = arith.addi %add3A_154, %iota3A : vector<16xi32>
    %shift_right_logical3A_156 = arith.constant 3 : i32
    %shift_right_logical3A_157 = vector.broadcast %shift_right_logical3A_156 : i32 to vector<16xi32>
    %shift_right_logical3A_158 = arith.shrui %add3A_155, %shift_right_logical3A_157 : vector<16xi32>
    %mul3A_159 = arith.constant 256 : i32
    %mul3A_160 = vector.broadcast %mul3A_159 : i32 to vector<16xi32>
    %mul3A_161 = arith.muli %shift_right_logical3A_158, %mul3A_160 : vector<16xi32>
    %shift_right_logical3A_162 = arith.constant 7 : i32
    %shift_right_logical3A_163 = vector.broadcast %shift_right_logical3A_162 : i32 to vector<16xi32>
    %shift_right_logical3A_164 = arith.shrui %get3A_151, %shift_right_logical3A_163 : vector<16xi32>
    %mul3A_165 = arith.constant 8 : i32
    %mul3A_166 = vector.broadcast %mul3A_165 : i32 to vector<16xi32>
    %mul3A_167 = arith.muli %shift_right_logical3A_164, %mul3A_166 : vector<16xi32>
    %add3A_168 = arith.addi %mul3A_161, %mul3A_167 : vector<16xi32>
    %and3A_169 = arith.constant 7 : i32
    %and3A_170 = vector.broadcast %and3A_169 : i32 to vector<16xi32>
    %and3A_171 = arith.andi %add3A_155, %and3A_170 : vector<16xi32>
    %add3A_172 = arith.addi %add3A_168, %and3A_171 : vector<16xi32>
    %swap3A_173 = arith.constant 0 : i32
    %swap3A_174 = arith.index_cast %swap3A_173 : i32 to index
    %swap3A_175 = arith.constant 80 : index
    %swap3A_176 = tpu.vector_load %arg6[%swap3A_174, %swap3A_175] {strides = array<i32>} : memref<2x128xi32, #tpu.memory_space<vmem>>, vector<1x16xi32>,
    %swap3A_177 = vector.shape_cast %swap3A_176 : vector<1x16xi32> to vector<16xi32>
    %swap3A_178 = vector.shape_cast %add3A_172 : vector<16xi32> to vector<1x16xi32>
    tpu.vector_store %arg6[%swap3A_174, %swap3A_175], %swap3A_178 {strides = array<i32>} : memref<2x128xi32, #tpu.memory_space<vmem>>, vector<1x16xi32>,
    %get3A_179 = arith.constant 96 : index
    %get3A_180 = tpu.vector_load %arg5[%get3A_179] {strides = array<i32>} : memref<256xi32, #tpu.memory_space<vmem>>, vector<16xi32>,
    %get3A_181 = vector.shape_cast %get3A_180 : vector<16xi32> to vector<16xi32>
    %add3A_182 = arith.constant 96 : i32
    %add3A_183 = arith.addi %mul3A_2, %add3A_182 : i32
    %add3A_184 = vector.broadcast %add3A_183 : i32 to vector<16xi32>
    %add3A_185 = arith.addi %add3A_184, %iota3A : vector<16xi32>
    %shift_right_logical3A_186 = arith.constant 3 : i32
    %shift_right_logical3A_187 = vector.broadcast %shift_right_logical3A_186 : i32 to vector<16xi32>
    %shift_right_logical3A_188 = arith.shrui %add3A_185, %shift_right_logical3A_187 : vector<16xi32>
    %mul3A_189 = arith.constant 256 : i32
    %mul3A_190 = vector.broadcast %mul3A_189 : i32 to vector<16xi32>
    %mul3A_191 = arith.muli %shift_right_logical3A_188, %mul3A_190 : vector<16xi32>
    %shift_right_logical3A_192 = arith.constant 7 : i32
    %shift_right_logical3A_193 = vector.broadcast %shift_right_logical3A_192 : i32 to vector<16xi32>
    %shift_right_logical3A_194 = arith.shrui %get3A_181, %shift_right_logical3A_193 : vector<16xi32>
    %mul3A_195 = arith.constant 8 : i32
    %mul3A_196 = vector.broadcast %mul3A_195 : i32 to vector<16xi32>
    %mul3A_197 = arith.muli %shift_right_logical3A_194, %mul3A_196 : vector<16xi32>
    %add3A_198 = arith.addi %mul3A_191, %mul3A_197 : vector<16xi32>
    %and3A_199 = arith.constant 7 : i32
    %and3A_200 = vector.broadcast %and3A_199 : i32 to vector<16xi32>
    %and3A_201 = arith.andi %add3A_185, %and3A_200 : vector<16xi32>
    %add3A_202 = arith.addi %add3A_198, %and3A_201 : vector<16xi32>
    %swap3A_203 = arith.constant 0 : i32
    %swap3A_204 = arith.index_cast %swap3A_203 : i32 to index
    %swap3A_205 = arith.constant 96 : index
    %swap3A_206 = tpu.vector_load %arg6[%swap3A_204, %swap3A_205] {strides = array<i32>} : memref<2x128xi32, #tpu.memory_space<vmem>>, vector<1x16xi32>,
    %swap3A_207 = vector.shape_cast %swap3A_206 : vector<1x16xi32> to vector<16xi32>
    %swap3A_208 = vector.shape_cast %add3A_202 : vector<16xi32> to vector<1x16xi32>
    tpu.vector_store %arg6[%swap3A_204, %swap3A_205], %swap3A_208 {strides = array<i32>} : memref<2x128xi32, #tpu.memory_space<vmem>>, vector<1x16xi32>,
    %get3A_209 = arith.constant 112 : index
    %get3A_210 = tpu.vector_load %arg5[%get3A_209] {strides = array<i32>} : memref<256xi32, #tpu.memory_space<vmem>>, vector<16xi32>,
    %get3A_211 = vector.shape_cast %get3A_210 : vector<16xi32> to vector<16xi32>
    %add3A_212 = arith.constant 112 : i32
    %add3A_213 = arith.addi %mul3A_2, %add3A_212 : i32
    %add3A_214 = vector.broadcast %add3A_213 : i32 to vector<16xi32>
    %add3A_215 = arith.addi %add3A_214, %iota3A : vector<16xi32>
    %shift_right_logical3A_216 = arith.constant 3 : i32
    %shift_right_logical3A_217 = vector.broadcast %shift_right_logical3A_216 : i32 to vector<16xi32>
    %shift_right_logical3A_218 = arith.shrui %add3A_215, %shift_right_logical3A_217 : vector<16xi32>
    %mul3A_219 = arith.constant 256 : i32
    %mul3A_220 = vector.broadcast %mul3A_219 : i32 to vector<16xi32>
    %mul3A_221 = arith.muli %shift_right_logical3A_218, %mul3A_220 : vector<16xi32>
    %shift_right_logical3A_222 = arith.constant 7 : i32
    %shift_right_logical3A_223 = vector.broadcast %shift_right_logical3A_222 : i32 to vector<16xi32>
    %shift_right_logical3A_224 = arith.shrui %get3A_211, %shift_right_logical3A_223 : vector<16xi32>
    %mul3A_225 = arith.constant 8 : i32
    %mul3A_226 = vector.broadcast %mul3A_225 : i32 to vector<16xi32>
    %mul3A_227 = arith.muli %shift_right_logical3A_224, %mul3A_226 : vector<16xi32>
    %add3A_228 = arith.addi %mul3A_221, %mul3A_227 : vector<16xi32>
    %and3A_229 = arith.constant 7 : i32
    %and3A_230 = vector.broadcast %and3A_229 : i32 to vector<16xi32>
    %and3A_231 = arith.andi %add3A_215, %and3A_230 : vector<16xi32>
    %add3A_232 = arith.addi %add3A_228, %and3A_231 : vector<16xi32>
    %swap3A_233 = arith.constant 0 : i32
    %swap3A_234 = arith.index_cast %swap3A_233 : i32 to index
    %swap3A_235 = arith.constant 112 : index
    %swap3A_236 = tpu.vector_load %arg6[%swap3A_234, %swap3A_235] {strides = array<i32>} : memref<2x128xi32, #tpu.memory_space<vmem>>, vector<1x16xi32>,
    %swap3A_237 = vector.shape_cast %swap3A_236 : vector<1x16xi32> to vector<16xi32>
    %swap3A_238 = vector.shape_cast %add3A_232 : vector<16xi32> to vector<1x16xi32>
    tpu.vector_store %arg6[%swap3A_234, %swap3A_235], %swap3A_238 {strides = array<i32>} : memref<2x128xi32, #tpu.memory_space<vmem>>, vector<1x16xi32>,
    %get3A_239 = arith.constant 128 : index
    %get3A_240 = tpu.vector_load %arg5[%get3A_239] {strides = array<i32>} : memref<256xi32, #tpu.memory_space<vmem>>, vector<16xi32>,
    %get3A_241 = vector.shape_cast %get3A_240 : vector<16xi32> to vector<16xi32>
    %add3A_242 = arith.constant 128 : i32
    %add3A_243 = arith.addi %mul3A_2, %add3A_242 : i32
    %add3A_244 = vector.broadcast %add3A_243 : i32 to vector<16xi32>
    %add3A_245 = arith.addi %add3A_244, %iota3A : vector<16xi32>
    %shift_right_logical3A_246 = arith.constant 3 : i32
    %shift_right_logical3A_247 = vector.broadcast %shift_right_logical3A_246 : i32 to vector<16xi32>
    %shift_right_logical3A_248 = arith.shrui %add3A_245, %shift_right_logical3A_247 : vector<16xi32>
    %mul3A_249 = arith.constant 256 : i32
    %mul3A_250 = vector.broadcast %mul3A_249 : i32 to vector<16xi32>
    %mul3A_251 = arith.muli %shift_right_logical3A_248, %mul3A_250 : vector<16xi32>
    %shift_right_logical3A_252 = arith.constant 7 : i32
    %shift_right_logical3A_253 = vector.broadcast %shift_right_logical3A_252 : i32 to vector<16xi32>
    %shift_right_logical3A_254 = arith.shrui %get3A_241, %shift_right_logical3A_253 : vector<16xi32>
    %mul3A_255 = arith.constant 8 : i32
    %mul3A_256 = vector.broadcast %mul3A_255 : i32 to vector<16xi32>
    %mul3A_257 = arith.muli %shift_right_logical3A_254, %mul3A_256 : vector<16xi32>
    %add3A_258 = arith.addi %mul3A_251, %mul3A_257 : vector<16xi32>
    %and3A_259 = arith.constant 7 : i32
    %and3A_260 = vector.broadcast %and3A_259 : i32 to vector<16xi32>
    %and3A_261 = arith.andi %add3A_245, %and3A_260 : vector<16xi32>
    %add3A_262 = arith.addi %add3A_258, %and3A_261 : vector<16xi32>
    %swap3A_263 = arith.constant 1 : i32
    %swap3A_264 = arith.index_cast %swap3A_263 : i32 to index
    %swap3A_265 = arith.constant 0 : index
    %swap3A_266 = tpu.vector_load %arg6[%swap3A_264, %swap3A_265] {strides = array<i32>} : memref<2x128xi32, #tpu.memory_space<vmem>>, vector<1x16xi32>,
    %swap3A_267 = vector.shape_cast %swap3A_266 : vector<1x16xi32> to vector<16xi32>
    %swap3A_268 = vector.shape_cast %add3A_262 : vector<16xi32> to vector<1x16xi32>
    tpu.vector_store %arg6[%swap3A_264, %swap3A_265], %swap3A_268 {strides = array<i32>} : memref<2x128xi32, #tpu.memory_space<vmem>>, vector<1x16xi32>,
    %get3A_269 = arith.constant 144 : index
    %get3A_270 = tpu.vector_load %arg5[%get3A_269] {strides = array<i32>} : memref<256xi32, #tpu.memory_space<vmem>>, vector<16xi32>,
    %get3A_271 = vector.shape_cast %get3A_270 : vector<16xi32> to vector<16xi32>
    %add3A_272 = arith.constant 144 : i32
    %add3A_273 = arith.addi %mul3A_2, %add3A_272 : i32
    %add3A_274 = vector.broadcast %add3A_273 : i32 to vector<16xi32>
    %add3A_275 = arith.addi %add3A_274, %iota3A : vector<16xi32>
    %shift_right_logical3A_276 = arith.constant 3 : i32
    %shift_right_logical3A_277 = vector.broadcast %shift_right_logical3A_276 : i32 to vector<16xi32>
    %shift_right_logical3A_278 = arith.shrui %add3A_275, %shift_right_logical3A_277 : vector<16xi32>
    %mul3A_279 = arith.constant 256 : i32
    %mul3A_280 = vector.broadcast %mul3A_279 : i32 to vector<16xi32>
    %mul3A_281 = arith.muli %shift_right_logical3A_278, %mul3A_280 : vector<16xi32>
    %shift_right_logical3A_282 = arith.constant 7 : i32
    %shift_right_logical3A_283 = vector.broadcast %shift_right_logical3A_282 : i32 to vector<16xi32>
    %shift_right_logical3A_284 = arith.shrui %get3A_271, %shift_right_logical3A_283 : vector<16xi32>
    %mul3A_285 = arith.constant 8 : i32
    %mul3A_286 = vector.broadcast %mul3A_285 : i32 to vector<16xi32>
    %mul3A_287 = arith.muli %shift_right_logical3A_284, %mul3A_286 : vector<16xi32>
    %add3A_288 = arith.addi %mul3A_281, %mul3A_287 : vector<16xi32>
    %and3A_289 = arith.constant 7 : i32
    %and3A_290 = vector.broadcast %and3A_289 : i32 to vector<16xi32>
    %and3A_291 = arith.andi %add3A_275, %and3A_290 : vector<16xi32>
    %add3A_292 = arith.addi %add3A_288, %and3A_291 : vector<16xi32>
    %swap3A_293 = arith.constant 1 : i32
    %swap3A_294 = arith.index_cast %swap3A_293 : i32 to index
    %swap3A_295 = arith.constant 16 : index
    %swap3A_296 = tpu.vector_load %arg6[%swap3A_294, %swap3A_295] {strides = array<i32>} : memref<2x128xi32, #tpu.memory_space<vmem>>, vector<1x16xi32>,
    %swap3A_297 = vector.shape_cast %swap3A_296 : vector<1x16xi32> to vector<16xi32>
    %swap3A_298 = vector.shape_cast %add3A_292 : vector<16xi32> to vector<1x16xi32>
    tpu.vector_store %arg6[%swap3A_294, %swap3A_295], %swap3A_298 {strides = array<i32>} : memref<2x128xi32, #tpu.memory_space<vmem>>, vector<1x16xi32>,
    %get3A_299 = arith.constant 160 : index
    %get3A_300 = tpu.vector_load %arg5[%get3A_299] {strides = array<i32>} : memref<256xi32, #tpu.memory_space<vmem>>, vector<16xi32>,
    %get3A_301 = vector.shape_cast %get3A_300 : vector<16xi32> to vector<16xi32>
    %add3A_302 = arith.constant 160 : i32
    %add3A_303 = arith.addi %mul3A_2, %add3A_302 : i32
    %add3A_304 = vector.broadcast %add3A_303 : i32 to vector<16xi32>
    %add3A_305 = arith.addi %add3A_304, %iota3A : vector<16xi32>
    %shift_right_logical3A_306 = arith.constant 3 : i32
    %shift_right_logical3A_307 = vector.broadcast %shift_right_logical3A_306 : i32 to vector<16xi32>
    %shift_right_logical3A_308 = arith.shrui %add3A_305, %shift_right_logical3A_307 : vector<16xi32>
    %mul3A_309 = arith.constant 256 : i32
    %mul3A_310 = vector.broadcast %mul3A_309 : i32 to vector<16xi32>
    %mul3A_311 = arith.muli %shift_right_logical3A_308, %mul3A_310 : vector<16xi32>
    %shift_right_logical3A_312 = arith.constant 7 : i32
    %shift_right_logical3A_313 = vector.broadcast %shift_right_logical3A_312 : i32 to vector<16xi32>
    %shift_right_logical3A_314 = arith.shrui %get3A_301, %shift_right_logical3A_313 : vector<16xi32>
    %mul3A_315 = arith.constant 8 : i32
    %mul3A_316 = vector.broadcast %mul3A_315 : i32 to vector<16xi32>
    %mul3A_317 = arith.muli %shift_right_logical3A_314, %mul3A_316 : vector<16xi32>
    %add3A_318 = arith.addi %mul3A_311, %mul3A_317 : vector<16xi32>
    %and3A_319 = arith.constant 7 : i32
    %and3A_320 = vector.broadcast %and3A_319 : i32 to vector<16xi32>
    %and3A_321 = arith.andi %add3A_305, %and3A_320 : vector<16xi32>
    %add3A_322 = arith.addi %add3A_318, %and3A_321 : vector<16xi32>
    %swap3A_323 = arith.constant 1 : i32
    %swap3A_324 = arith.index_cast %swap3A_323 : i32 to index
    %swap3A_325 = arith.constant 32 : index
    %swap3A_326 = tpu.vector_load %arg6[%swap3A_324, %swap3A_325] {strides = array<i32>} : memref<2x128xi32, #tpu.memory_space<vmem>>, vector<1x16xi32>,
    %swap3A_327 = vector.shape_cast %swap3A_326 : vector<1x16xi32> to vector<16xi32>
    %swap3A_328 = vector.shape_cast %add3A_322 : vector<16xi32> to vector<1x16xi32>
    tpu.vector_store %arg6[%swap3A_324, %swap3A_325], %swap3A_328 {strides = array<i32>} : memref<2x128xi32, #tpu.memory_space<vmem>>, vector<1x16xi32>,
    %get3A_329 = arith.constant 176 : index
    %get3A_330 = tpu.vector_load %arg5[%get3A_329] {strides = array<i32>} : memref<256xi32, #tpu.memory_space<vmem>>, vector<16xi32>,
    %get3A_331 = vector.shape_cast %get3A_330 : vector<16xi32> to vector<16xi32>
    %add3A_332 = arith.constant 176 : i32
    %add3A_333 = arith.addi %mul3A_2, %add3A_332 : i32
    %add3A_334 = vector.broadcast %add3A_333 : i32 to vector<16xi32>
    %add3A_335 = arith.addi %add3A_334, %iota3A : vector<16xi32>
    %shift_right_logical3A_336 = arith.constant 3 : i32
    %shift_right_logical3A_337 = vector.broadcast %shift_right_logical3A_336 : i32 to vector<16xi32>
    %shift_right_logical3A_338 = arith.shrui %add3A_335, %shift_right_logical3A_337 : vector<16xi32>
    %mul3A_339 = arith.constant 256 : i32
    %mul3A_340 = vector.broadcast %mul3A_339 : i32 to vector<16xi32>
    %mul3A_341 = arith.muli %shift_right_logical3A_338, %mul3A_340 : vector<16xi32>
    %shift_right_logical3A_342 = arith.constant 7 : i32
    %shift_right_logical3A_343 = vector.broadcast %shift_right_logical3A_342 : i32 to vector<16xi32>
    %shift_right_logical3A_344 = arith.shrui %get3A_331, %shift_right_logical3A_343 : vector<16xi32>
    %mul3A_345 = arith.constant 8 : i32
    %mul3A_346 = vector.broadcast %mul3A_345 : i32 to vector<16xi32>
    %mul3A_347 = arith.muli %shift_right_logical3A_344, %mul3A_346 : vector<16xi32>
    %add3A_348 = arith.addi %mul3A_341, %mul3A_347 : vector<16xi32>
    %and3A_349 = arith.constant 7 : i32
    %and3A_350 = vector.broadcast %and3A_349 : i32 to vector<16xi32>
    %and3A_351 = arith.andi %add3A_335, %and3A_350 : vector<16xi32>
    %add3A_352 = arith.addi %add3A_348, %and3A_351 : vector<16xi32>
    %swap3A_353 = arith.constant 1 : i32
    %swap3A_354 = arith.index_cast %swap3A_353 : i32 to index
    %swap3A_355 = arith.constant 48 : index
    %swap3A_356 = tpu.vector_load %arg6[%swap3A_354, %swap3A_355] {strides = array<i32>} : memref<2x128xi32, #tpu.memory_space<vmem>>, vector<1x16xi32>,
    %swap3A_357 = vector.shape_cast %swap3A_356 : vector<1x16xi32> to vector<16xi32>
    %swap3A_358 = vector.shape_cast %add3A_352 : vector<16xi32> to vector<1x16xi32>
    tpu.vector_store %arg6[%swap3A_354, %swap3A_355], %swap3A_358 {strides = array<i32>} : memref<2x128xi32, #tpu.memory_space<vmem>>, vector<1x16xi32>,
    %get3A_359 = arith.constant 192 : index
    %get3A_360 = tpu.vector_load %arg5[%get3A_359] {strides = array<i32>} : memref<256xi32, #tpu.memory_space<vmem>>, vector<16xi32>,
    %get3A_361 = vector.shape_cast %get3A_360 : vector<16xi32> to vector<16xi32>
    %add3A_362 = arith.constant 192 : i32
    %add3A_363 = arith.addi %mul3A_2, %add3A_362 : i32
    %add3A_364 = vector.broadcast %add3A_363 : i32 to vector<16xi32>
    %add3A_365 = arith.addi %add3A_364, %iota3A : vector<16xi32>
    %shift_right_logical3A_366 = arith.constant 3 : i32
    %shift_right_logical3A_367 = vector.broadcast %shift_right_logical3A_366 : i32 to vector<16xi32>
    %shift_right_logical3A_368 = arith.shrui %add3A_365, %shift_right_logical3A_367 : vector<16xi32>
    %mul3A_369 = arith.constant 256 : i32
    %mul3A_370 = vector.broadcast %mul3A_369 : i32 to vector<16xi32>
    %mul3A_371 = arith.muli %shift_right_logical3A_368, %mul3A_370 : vector<16xi32>
    %shift_right_logical3A_372 = arith.constant 7 : i32
    %shift_right_logical3A_373 = vector.broadcast %shift_right_logical3A_372 : i32 to vector<16xi32>
    %shift_right_logical3A_374 = arith.shrui %get3A_361, %shift_right_logical3A_373 : vector<16xi32>
    %mul3A_375 = arith.constant 8 : i32
    %mul3A_376 = vector.broadcast %mul3A_375 : i32 to vector<16xi32>
    %mul3A_377 = arith.muli %shift_right_logical3A_374, %mul3A_376 : vector<16xi32>
    %add3A_378 = arith.addi %mul3A_371, %mul3A_377 : vector<16xi32>
    %and3A_379 = arith.constant 7 : i32
    %and3A_380 = vector.broadcast %and3A_379 : i32 to vector<16xi32>
    %and3A_381 = arith.andi %add3A_365, %and3A_380 : vector<16xi32>
    %add3A_382 = arith.addi %add3A_378, %and3A_381 : vector<16xi32>
    %swap3A_383 = arith.constant 1 : i32
    %swap3A_384 = arith.index_cast %swap3A_383 : i32 to index
    %swap3A_385 = arith.constant 64 : index
    %swap3A_386 = tpu.vector_load %arg6[%swap3A_384, %swap3A_385] {strides = array<i32>} : memref<2x128xi32, #tpu.memory_space<vmem>>, vector<1x16xi32>,
    %swap3A_387 = vector.shape_cast %swap3A_386 : vector<1x16xi32> to vector<16xi32>
    %swap3A_388 = vector.shape_cast %add3A_382 : vector<16xi32> to vector<1x16xi32>
    tpu.vector_store %arg6[%swap3A_384, %swap3A_385], %swap3A_388 {strides = array<i32>} : memref<2x128xi32, #tpu.memory_space<vmem>>, vector<1x16xi32>,
    %get3A_389 = arith.constant 208 : index
    %get3A_390 = tpu.vector_load %arg5[%get3A_389] {strides = array<i32>} : memref<256xi32, #tpu.memory_space<vmem>>, vector<16xi32>,
    %get3A_391 = vector.shape_cast %get3A_390 : vector<16xi32> to vector<16xi32>
    %add3A_392 = arith.constant 208 : i32
    %add3A_393 = arith.addi %mul3A_2, %add3A_392 : i32
    %add3A_394 = vector.broadcast %add3A_393 : i32 to vector<16xi32>
    %add3A_395 = arith.addi %add3A_394, %iota3A : vector<16xi32>
    %shift_right_logical3A_396 = arith.constant 3 : i32
    %shift_right_logical3A_397 = vector.broadcast %shift_right_logical3A_396 : i32 to vector<16xi32>
    %shift_right_logical3A_398 = arith.shrui %add3A_395, %shift_right_logical3A_397 : vector<16xi32>
    %mul3A_399 = arith.constant 256 : i32
    %mul3A_400 = vector.broadcast %mul3A_399 : i32 to vector<16xi32>
    %mul3A_401 = arith.muli %shift_right_logical3A_398, %mul3A_400 : vector<16xi32>
    %shift_right_logical3A_402 = arith.constant 7 : i32
    %shift_right_logical3A_403 = vector.broadcast %shift_right_logical3A_402 : i32 to vector<16xi32>
    %shift_right_logical3A_404 = arith.shrui %get3A_391, %shift_right_logical3A_403 : vector<16xi32>
    %mul3A_405 = arith.constant 8 : i32
    %mul3A_406 = vector.broadcast %mul3A_405 : i32 to vector<16xi32>
    %mul3A_407 = arith.muli %shift_right_logical3A_404, %mul3A_406 : vector<16xi32>
    %add3A_408 = arith.addi %mul3A_401, %mul3A_407 : vector<16xi32>
    %and3A_409 = arith.constant 7 : i32
    %and3A_410 = vector.broadcast %and3A_409 : i32 to vector<16xi32>
    %and3A_411 = arith.andi %add3A_395, %and3A_410 : vector<16xi32>
    %add3A_412 = arith.addi %add3A_408, %and3A_411 : vector<16xi32>
    %swap3A_413 = arith.constant 1 : i32
    %swap3A_414 = arith.index_cast %swap3A_413 : i32 to index
    %swap3A_415 = arith.constant 80 : index
    %swap3A_416 = tpu.vector_load %arg6[%swap3A_414, %swap3A_415] {strides = array<i32>} : memref<2x128xi32, #tpu.memory_space<vmem>>, vector<1x16xi32>,
    %swap3A_417 = vector.shape_cast %swap3A_416 : vector<1x16xi32> to vector<16xi32>
    %swap3A_418 = vector.shape_cast %add3A_412 : vector<16xi32> to vector<1x16xi32>
    tpu.vector_store %arg6[%swap3A_414, %swap3A_415], %swap3A_418 {strides = array<i32>} : memref<2x128xi32, #tpu.memory_space<vmem>>, vector<1x16xi32>,
    %get3A_419 = arith.constant 224 : index
    %get3A_420 = tpu.vector_load %arg5[%get3A_419] {strides = array<i32>} : memref<256xi32, #tpu.memory_space<vmem>>, vector<16xi32>,
    %get3A_421 = vector.shape_cast %get3A_420 : vector<16xi32> to vector<16xi32>
    %add3A_422 = arith.constant 224 : i32
    %add3A_423 = arith.addi %mul3A_2, %add3A_422 : i32
    %add3A_424 = vector.broadcast %add3A_423 : i32 to vector<16xi32>
    %add3A_425 = arith.addi %add3A_424, %iota3A : vector<16xi32>
    %shift_right_logical3A_426 = arith.constant 3 : i32
    %shift_right_logical3A_427 = vector.broadcast %shift_right_logical3A_426 : i32 to vector<16xi32>
    %shift_right_logical3A_428 = arith.shrui %add3A_425, %shift_right_logical3A_427 : vector<16xi32>
    %mul3A_429 = arith.constant 256 : i32
    %mul3A_430 = vector.broadcast %mul3A_429 : i32 to vector<16xi32>
    %mul3A_431 = arith.muli %shift_right_logical3A_428, %mul3A_430 : vector<16xi32>
    %shift_right_logical3A_432 = arith.constant 7 : i32
    %shift_right_logical3A_433 = vector.broadcast %shift_right_logical3A_432 : i32 to vector<16xi32>
    %shift_right_logical3A_434 = arith.shrui %get3A_421, %shift_right_logical3A_433 : vector<16xi32>
    %mul3A_435 = arith.constant 8 : i32
    %mul3A_436 = vector.broadcast %mul3A_435 : i32 to vector<16xi32>
    %mul3A_437 = arith.muli %shift_right_logical3A_434, %mul3A_436 : vector<16xi32>
    %add3A_438 = arith.addi %mul3A_431, %mul3A_437 : vector<16xi32>
    %and3A_439 = arith.constant 7 : i32
    %and3A_440 = vector.broadcast %and3A_439 : i32 to vector<16xi32>
    %and3A_441 = arith.andi %add3A_425, %and3A_440 : vector<16xi32>
    %add3A_442 = arith.addi %add3A_438, %and3A_441 : vector<16xi32>
    %swap3A_443 = arith.constant 1 : i32
    %swap3A_444 = arith.index_cast %swap3A_443 : i32 to index
    %swap3A_445 = arith.constant 96 : index
    %swap3A_446 = tpu.vector_load %arg6[%swap3A_444, %swap3A_445] {strides = array<i32>} : memref<2x128xi32, #tpu.memory_space<vmem>>, vector<1x16xi32>,
    %swap3A_447 = vector.shape_cast %swap3A_446 : vector<1x16xi32> to vector<16xi32>
    %swap3A_448 = vector.shape_cast %add3A_442 : vector<16xi32> to vector<1x16xi32>
    tpu.vector_store %arg6[%swap3A_444, %swap3A_445], %swap3A_448 {strides = array<i32>} : memref<2x128xi32, #tpu.memory_space<vmem>>, vector<1x16xi32>,
    %get3A_449 = arith.constant 240 : index
    %get3A_450 = tpu.vector_load %arg5[%get3A_449] {strides = array<i32>} : memref<256xi32, #tpu.memory_space<vmem>>, vector<16xi32>,
    %get3A_451 = vector.shape_cast %get3A_450 : vector<16xi32> to vector<16xi32>
    %add3A_452 = arith.constant 240 : i32
    %add3A_453 = arith.addi %mul3A_2, %add3A_452 : i32
    %add3A_454 = vector.broadcast %add3A_453 : i32 to vector<16xi32>
    %add3A_455 = arith.addi %add3A_454, %iota3A : vector<16xi32>
    %shift_right_logical3A_456 = arith.constant 3 : i32
    %shift_right_logical3A_457 = vector.broadcast %shift_right_logical3A_456 : i32 to vector<16xi32>
    %shift_right_logical3A_458 = arith.shrui %add3A_455, %shift_right_logical3A_457 : vector<16xi32>
    %mul3A_459 = arith.constant 256 : i32
    %mul3A_460 = vector.broadcast %mul3A_459 : i32 to vector<16xi32>
    %mul3A_461 = arith.muli %shift_right_logical3A_458, %mul3A_460 : vector<16xi32>
    %shift_right_logical3A_462 = arith.constant 7 : i32
    %shift_right_logical3A_463 = vector.broadcast %shift_right_logical3A_462 : i32 to vector<16xi32>
    %shift_right_logical3A_464 = arith.shrui %get3A_451, %shift_right_logical3A_463 : vector<16xi32>
    %mul3A_465 = arith.constant 8 : i32
    %mul3A_466 = vector.broadcast %mul3A_465 : i32 to vector<16xi32>
    %mul3A_467 = arith.muli %shift_right_logical3A_464, %mul3A_466 : vector<16xi32>
    %add3A_468 = arith.addi %mul3A_461, %mul3A_467 : vector<16xi32>
    %and3A_469 = arith.constant 7 : i32
    %and3A_470 = vector.broadcast %and3A_469 : i32 to vector<16xi32>
    %and3A_471 = arith.andi %add3A_455, %and3A_470 : vector<16xi32>
    %add3A_472 = arith.addi %add3A_468, %and3A_471 : vector<16xi32>
    %swap3A_473 = arith.constant 1 : i32
    %swap3A_474 = arith.index_cast %swap3A_473 : i32 to index
    %swap3A_475 = arith.constant 112 : index
    %swap3A_476 = tpu.vector_load %arg6[%swap3A_474, %swap3A_475] {strides = array<i32>} : memref<2x128xi32, #tpu.memory_space<vmem>>, vector<1x16xi32>,
    %swap3A_477 = vector.shape_cast %swap3A_476 : vector<1x16xi32> to vector<16xi32>
    %swap3A_478 = vector.shape_cast %add3A_472 : vector<16xi32> to vector<1x16xi32>
    tpu.vector_store %arg6[%swap3A_474, %swap3A_475], %swap3A_478 {strides = array<i32>} : memref<2x128xi32, #tpu.memory_space<vmem>>, vector<1x16xi32>,
    %dma_start3A = arith.constant 0 : i32
    %dma_start3A_479 = arith.constant 0 : i32
    %dma_start3A_480 = arith.constant 0 : i32
    %dma_start3A_481 = tpu.memref_slice %arg7[%dma_start3A_479, %dma_start3A_480] : memref<256x128xf32, #tpu.memory_space<vmem>> -> memref<128x128xf32, #tpu.memory_space<vmem>>
    %dma_start3A_482 = arith.constant 0 : i32
    %dma_start3A_483 = tpu.memref_slice %arg6[%dma_start3A, %dma_start3A_482] : memref<2x128xi32, #tpu.memory_space<vmem>> -> memref<1x128xi32, #tpu.memory_space<vmem>>
    %dma_start3A_484 = tpu.memref_squeeze %dma_start3A_483 : memref<1x128xi32, #tpu.memory_space<vmem>> -> memref<128xi32, #tpu.memory_space<vmem>>
    %dma_start3A_485 = arith.constant 0 : i32
    %dma_start3A_486 = arith.constant 0 : i32
    %dma_start3A_487 = tpu.memref_slice %arg2[%dma_start3A_485, %dma_start3A_486] : memref<262144x128xf32, #tpu.memory_space<hbm>> -> memref<262144x128xf32, #tpu.memory_space<hbm>>
    tpu.enqueue_indirect_dma source(%dma_start3A_487 : memref<262144x128xf32, #tpu.memory_space<hbm>>) target(%dma_start3A_481 : memref<128x128xf32, #tpu.memory_space<vmem>>) offsets(%dma_start3A_484 : memref<128xi32, #tpu.memory_space<vmem>>) semaphore(%arg8 : memref<!tpu.dma_semaphore, #tpu.memory_space<semaphore_mem>>)
    %dma_start3A_488 = arith.constant 1 : i32
    %dma_start3A_489 = arith.constant 128 : i32
    %dma_start3A_490 = arith.constant 0 : i32
    %dma_start3A_491 = tpu.memref_slice %arg7[%dma_start3A_489, %dma_start3A_490] : memref<256x128xf32, #tpu.memory_space<vmem>> -> memref<128x128xf32, #tpu.memory_space<vmem>>
    %dma_start3A_492 = arith.constant 0 : i32
    %dma_start3A_493 = tpu.memref_slice %arg6[%dma_start3A_488, %dma_start3A_492] : memref<2x128xi32, #tpu.memory_space<vmem>> -> memref<1x128xi32, #tpu.memory_space<vmem>>
    %dma_start3A_494 = tpu.memref_squeeze %dma_start3A_493 : memref<1x128xi32, #tpu.memory_space<vmem>> -> memref<128xi32, #tpu.memory_space<vmem>>
    %dma_start3A_495 = arith.constant 0 : i32
    %dma_start3A_496 = arith.constant 0 : i32
    %dma_start3A_497 = tpu.memref_slice %arg2[%dma_start3A_495, %dma_start3A_496] : memref<262144x128xf32, #tpu.memory_space<hbm>> -> memref<262144x128xf32, #tpu.memory_space<hbm>>
    tpu.enqueue_indirect_dma source(%dma_start3A_497 : memref<262144x128xf32, #tpu.memory_space<hbm>>) target(%dma_start3A_491 : memref<128x128xf32, #tpu.memory_space<vmem>>) offsets(%dma_start3A_494 : memref<128xi32, #tpu.memory_space<vmem>>) semaphore(%arg8 : memref<!tpu.dma_semaphore, #tpu.memory_space<semaphore_mem>>)
    %dma_wait3A = arith.constant 0 : i32
    %dma_wait3A_498 = arith.constant 0 : i32
    %dma_wait3A_499 = arith.constant 0 : i32
    %dma_wait3A_500 = tpu.memref_slice %arg7[%dma_wait3A_498, %dma_wait3A_499] : memref<256x128xf32, #tpu.memory_space<vmem>> -> memref<128x128xf32, #tpu.memory_space<vmem>>
    %dma_wait3A_501 = arith.constant 0 : i32
    %dma_wait3A_502 = tpu.memref_slice %arg6[%dma_wait3A, %dma_wait3A_501] : memref<2x128xi32, #tpu.memory_space<vmem>> -> memref<1x128xi32, #tpu.memory_space<vmem>>
    %dma_wait3A_503 = tpu.memref_squeeze %dma_wait3A_502 : memref<1x128xi32, #tpu.memory_space<vmem>> -> memref<128xi32, #tpu.memory_space<vmem>>
    %dma_wait3A_504 = arith.constant 0 : i32
    %dma_wait3A_505 = arith.constant 0 : i32
    %dma_wait3A_506 = tpu.memref_slice %arg2[%dma_wait3A_504, %dma_wait3A_505] : memref<262144x128xf32, #tpu.memory_space<hbm>> -> memref<262144x128xf32, #tpu.memory_space<hbm>>
    tpu.wait_indirect_dma semaphore(%arg8 : memref<!tpu.dma_semaphore, #tpu.memory_space<semaphore_mem>>) src(%dma_wait3A_506 : memref<262144x128xf32, #tpu.memory_space<hbm>>) dst(%dma_wait3A_500 : memref<128x128xf32, #tpu.memory_space<vmem>>)
    %dma_wait3A_507 = arith.constant 1 : i32
    %dma_wait3A_508 = arith.constant 128 : i32
    %dma_wait3A_509 = arith.constant 0 : i32
    %dma_wait3A_510 = tpu.memref_slice %arg7[%dma_wait3A_508, %dma_wait3A_509] : memref<256x128xf32, #tpu.memory_space<vmem>> -> memref<128x128xf32, #tpu.memory_space<vmem>>
    %dma_wait3A_511 = arith.constant 0 : i32
    %dma_wait3A_512 = tpu.memref_slice %arg6[%dma_wait3A_507, %dma_wait3A_511] : memref<2x128xi32, #tpu.memory_space<vmem>> -> memref<1x128xi32, #tpu.memory_space<vmem>>
    %dma_wait3A_513 = tpu.memref_squeeze %dma_wait3A_512 : memref<1x128xi32, #tpu.memory_space<vmem>> -> memref<128xi32, #tpu.memory_space<vmem>>
    %dma_wait3A_514 = arith.constant 0 : i32
    %dma_wait3A_515 = arith.constant 0 : i32
    %dma_wait3A_516 = tpu.memref_slice %arg2[%dma_wait3A_514, %dma_wait3A_515] : memref<262144x128xf32, #tpu.memory_space<hbm>> -> memref<262144x128xf32, #tpu.memory_space<hbm>>
    tpu.wait_indirect_dma semaphore(%arg8 : memref<!tpu.dma_semaphore, #tpu.memory_space<semaphore_mem>>) src(%dma_wait3A_516 : memref<262144x128xf32, #tpu.memory_space<hbm>>) dst(%dma_wait3A_510 : memref<128x128xf32, #tpu.memory_space<vmem>>)
    "tpu.region"() ({
      %run_scoped3A = tpu.sem_alloc : memref<!tpu.dma_semaphore, #tpu.memory_space<semaphore_mem>>
      %dma_start3A_517 = arith.constant 0 : i32
      %dma_start3A_518 = tpu.memref_slice %arg4[%mul3A_2, %dma_start3A_517] : memref<8192x128xf32, #tpu.memory_space<hbm>> -> memref<256x128xf32, #tpu.memory_space<hbm>>
      %dma_start3A_519 = arith.constant 0 : i32
      %dma_start3A_520 = tpu.memref_slice %arg4[%mul3A_2, %dma_start3A_519] : memref<8192x128xf32, #tpu.memory_space<hbm>> -> memref<256x128xf32, #tpu.memory_space<hbm>>
      tpu.enqueue_dma source(%arg7 : memref<256x128xf32, #tpu.memory_space<vmem>>) target(%dma_start3A_520 : memref<256x128xf32, #tpu.memory_space<hbm>>) target_semaphore(%run_scoped3A : memref<!tpu.dma_semaphore, #tpu.memory_space<semaphore_mem>>)
      %dma_wait3A_521 = arith.constant 0 : i32
      %dma_wait3A_522 = tpu.memref_slice %arg4[%mul3A_2, %dma_wait3A_521] : memref<8192x128xf32, #tpu.memory_space<hbm>> -> memref<256x128xf32, #tpu.memory_space<hbm>>
      %dma_wait3A_523 = arith.constant 0 : i32
      %dma_wait3A_524 = tpu.memref_slice %arg4[%mul3A_2, %dma_wait3A_523] : memref<8192x128xf32, #tpu.memory_space<hbm>> -> memref<256x128xf32, #tpu.memory_space<hbm>>
      tpu.wait_dma2 semaphore(%run_scoped3A : memref<!tpu.dma_semaphore, #tpu.memory_space<semaphore_mem>>) src(%arg7 : memref<256x128xf32, #tpu.memory_space<vmem>>) dst(%dma_wait3A_524 : memref<256x128xf32, #tpu.memory_space<hbm>>)
      tpu.yield
    }) : () -> ()
    return
  }
}

module attributes {stable_mosaic.version = 14 : i64} {
  func.func @_dense_body(%arg0: i32, %arg1: memref<1024x4096xf32, #tpu.memory_space<vmem>>, %arg2: memref<1x1xf32, #tpu.memory_space<smem>>) attributes {dimension_semantics = [#tpu.dimension_semantics<arbitrary>], iteration_bounds = array<i64: 8>, scalar_prefetch = 0 : i64, scratch_operands = 0 : i64, tpu.core_type = #tpu.core_type<tc>, window_params = [{transform_indices = @transform_0, window_bounds = array<i64: 1024, 4096>}, {transform_indices = @transform_1, window_bounds = array<i64: 1, 1>}]} {
    %eq3A = arith.constant 0 : i32
    %eq3A_0 = arith.cmpi eq, %arg0, %eq3A : i32
    %convert_element_type3A = arith.extui %eq3A_0 : i1 to i32
    %cond3A = arith.constant 0 : i32
    %cond3A_1 = arith.cmpi ne, %convert_element_type3A, %cond3A : i32
    scf.if %cond3A_1 {
      %swap3A_13 = arith.constant 0.000000e+00 : f32
      %swap3A_14 = arith.constant 0 : index
      %swap3A_15 = arith.constant 0 : index
      %swap3A_16 = memref.load %arg2[%swap3A_14, %swap3A_15] : memref<1x1xf32, #tpu.memory_space<smem>>
      memref.store %swap3A_13, %arg2[%swap3A_14, %swap3A_15] : memref<1x1xf32, #tpu.memory_space<smem>>
    } else {
    }
    %get3A = arith.constant 0 : index
    %get3A_2 = arith.constant 0 : index
    %get3A_3 = memref.load %arg2[%get3A, %get3A_2] : memref<1x1xf32, #tpu.memory_space<smem>>
    %get3A_4 = arith.constant 0 : index
    %get3A_5 = arith.constant 0 : index
    %get3A_6 = vector.load %arg1[%get3A_4, %get3A_5] : memref<1024x4096xf32, #tpu.memory_space<vmem>>, vector<1024x4096xf32>
    %log3A = math.log %get3A_6 : vector<1024x4096xf32>
    %reduce_sum3A = vector.shape_cast %log3A : vector<1024x4096xf32> to vector<1x1024x4096xf32>
    %reduce_sum3A_7 = arith.constant dense<0.000000e+00> : vector<1xf32>
    %reduce_sum3A_8 = vector.multi_reduction <add>, %reduce_sum3A, %reduce_sum3A_7 [1, 2] : vector<1x1024x4096xf32> to vector<1xf32>
    %reduce_sum3A_9 = vector.shape_cast %reduce_sum3A_8 : vector<1xf32> to vector<1x1x1xf32>
    %reduce_sum3A_10 = vector.extract %reduce_sum3A_9[0, 0, 0] : f32 from vector<1x1x1xf32>
    %add3A = arith.addf %get3A_3, %reduce_sum3A_10 : f32
    %swap3A = arith.constant 0 : index
    %swap3A_11 = arith.constant 0 : index
    %swap3A_12 = memref.load %arg2[%swap3A, %swap3A_11] : memref<1x1xf32, #tpu.memory_space<smem>>
    memref.store %add3A, %arg2[%swap3A, %swap3A_11] : memref<1x1xf32, #tpu.memory_space<smem>>
    return
  }
  func.func @transform_0(%arg0: i32) -> (i32, i32) {
    %c0_i32 = arith.constant 0 : i32
    %c0_i32_0 = arith.constant 0 : i32
    return %arg0, %c0_i32 : i32, i32
  }
  func.func @transform_1(%arg0: i32) -> (i32, i32) {
    %c0_i32 = arith.constant 0 : i32
    %c0_i32_0 = arith.constant 0 : i32
    %c0_i32_1 = arith.constant 0 : i32
    return %c0_i32, %c0_i32_0 : i32, i32
  }
}

</mosaic_0001>

<sc_bundles>
// kernel: kernel.4.cloned.1.call-start
scs
__scs_entry_jumppad:
0x0: {  	(pc) =	sbr.rel $0x88, $3  }
0x1: {  	(tag) =	ssettag $0x0;
	lr =	simm.s32 $0x1  }
0x2: {  	[smem:$0x3F9F] =	sst lr;
	_ =	strace $0xD0000000  }
0x3: {  	_ = 	snop  }
0x4: {  	_ = 	snop  }
0x5: {  	_ = 	snop  }
0x6: {  	_ = 	snop  }
0x7: {  	_ = 	snop  }
__scs_overlays_trampoline_lowered:
0x8: {  	[smem:$0x3FAE] =	sst s0  }
0x9: {  	[smem:$0x3FAF] =	sst s1  }
0xa: {  	[smem:$0x3FB0] =	sst s2  }
0xb: {  	[smem:$0x3FB1] =	sst s3  }
0xc: {  	[smem:$0x3FB2] =	sst s4  }
0xd: {  	[smem:$0x3FB3] =	sst s5  }
0xe: {  	[smem:$0x3FB4] =	sst s6  }
0xf: {  	[smem:$0x3FB5] =	sst s7  }
0x10: {  	[smem:$0x3FB6] =	sst s8  }
0x11: {  	[smem:$0x3FB7] =	sst s9;
	s0 =	simm.s32 @!p0 $0x0  }
0x12: {  	s1 =	sld [smem:$0x3F9D];
	s0 =	simm.s32 @p0 $0x1  }
0x13: {  	[smem:$0x3FB8] =	sst s0;
	s0 =	simm.s32 @!p1 $0x0  }
0x14: {  	s2 =	sld [smem:$0x3F9C];
	s0 =	simm.s32 @p1 $0x1  }
0x15: {  	[smem:$0x3FB9] =	sst s0;
	s0 =	simm.s32 @!p2 $0x0  }
0x16: {  	s3 =	sld [smem:$0x3FDB];
	s0 =	simm.s32 @p2 $0x1  }
0x17: {  	s4 =	simm.s32 $0x1BF5;
	[smem:$0x3FBB] =	sst s0  }
0x18: {  	s0 =	sld [smem:$0x3F9E];
	_ =	swait.ge [sflag:s4], $0x0  }
0x19: {  	s7 =	sld [smem:$0x3F9F]  }
0x1a: {  	s8 =	sadd.s32 $0xFFFFE003, lr  }
0x1b: {  	s9 =	sadd.s32 $0xFFFFFEF7, lr;
	s5 =	simm.s32 $0xFFFFFFFF;
	p2 =	slt.u32 s8, $0xFFFFF086  }
0x1c: {  	p1 =	slt.u32 s9, $0xF7A;
	s5 =	simm.s32 @!p2 $0x0  }
0x1d: {  	s5 =	simm.s32 @p1 $0x1;
	p0 =	seq.s32 s7, s2  }
0x1e: {  	s7 =	smul.u32 @!p0 $0xF7A, s2;
	p2 =	seq.s32 @!p0 s5, $0x0  }
0x1f: {  	s9 =	smul.u32 $0xF7A, s1;
	s8 =	simm.s32 @!p0 $0x1BF5;
	p2 =	por !p2, p0  }
0x20: {  	[sflag:s8] =	ssyncset.s32 @!p0 $0xFFFFF086;
	s6 =	sadd.s32 @!p0 s3, s7;
	s7 =	simm.s32 @!p0 $0x108  }
0x21: {  	s3 =	sadd.s32 s3, s9;
	s6 =	sadd.s32 @!p0 $0x88, s6;
	s7 =	simm.s32 @p2 $0x1082  }
0x22: {  	[simem:s7], [sflag:s8] =	dma.local @!p0 [hbm:s6], $0xF7A  }
0x23: {  	s9 =	sor.u32 $0xD0000000, s2;
	s6 =	simm.s32 $0x108;
	_ =	swait.ge @!p0 [sflag:s8], $0x0  }
0x24: {  	s3 =	sadd.s32 $0x88, s3;
	s6 =	simm.s32 @!p1 $0x1082;
	[sflag:s4] =	ssyncset.s32 $0xFFFFF086  }
0x25: {  	[simem:s6], [sflag:s4] =	dma.local [hbm:s3], $0xF7A  }
0x26: {  	[smem:$0x3F9F] =	sst s1;
	(tag) =	ssettag s2;
	_ =	strace s9  }
0x27: {  	s1 =	sld [smem:$0x3FAF]  }
0x28: {  	s2 =	sld [smem:$0x3FB0]  }
0x29: {  	s4 =	sld [smem:$0x3FB2]  }
0x2a: {  	p0 =	seq.s32 s5, $0x0;
	s5 =	sld [smem:$0x3FB3]  }
0x2b: {  	s6 =	sld [smem:$0x3FB4]  }
0x2c: {  	s7 =	sld [smem:$0x3FB5]  }
0x2d: {  	s3 =	simm.s32 $0x108;
	s8 =	sld [smem:$0x3FB6]  }
0x2e: {  	s3 =	simm.s32 @!p0 $0x1082;
	s9 =	sld [smem:$0x3FB7]  }
0x2f: {  	lr =	sadd.s32 s0, s3;
	s0 =	sld [smem:$0x3FAE]  }
0x30: {  	s3 =	sld [smem:$0x3FB1]  }
0x31: {  	[smem:$0x3FBA] =	sst s10  }
0x32: {  	s10 =	sld [smem:$0x3FB8];
	_ =	sdelay $0x3  }
0x33: {  	p0 =	seq.s32 s10, $0x1;
	s10 =	sld [smem:$0x3FBA];
	_ =	sdelay $0x3  }
0x34: {  	[smem:$0x3FBA] =	sst s10  }
0x35: {  	s10 =	sld [smem:$0x3FB9];
	_ =	sdelay $0x3  }
0x36: {  	p1 =	seq.s32 s10, $0x1;
	s10 =	sld [smem:$0x3FBA];
	_ =	sdelay $0x3  }
0x37: {  	[smem:$0x3FBA] =	sst s10  }
0x38: {  	s10 =	sld [smem:$0x3FBB]  }
0x39: {  	_ = 	snop;
	(pc) =	sbr.ind lr, $3  }
0x3a: {  	_ = 	snop  }
0x3b: {  	_ = 	snop  }
0x3c: {  	p2 =	seq.s32 s10, $0x1;
	s10 =	sld [smem:$0x3FBA]  }
0x3d: {  	_ =	shalt  }
0x3e: {  	_ =	shalt  }
0x3f: {  	_ =	shalt  }
0x40: {  	_ =	shalt  }
0x41: {  	_ =	shalt  }
0x42: {  	_ =	shalt  }
0x43: {  	_ =	shalt  }
0x44: {  	_ =	shalt  }
0x45: {  	_ =	shalt  }
0x46: {  	_ =	shalt  }
0x47: {  	_ =	shalt  }
0x48: {  	_ =	shalt  }
0x49: {  	_ =	shalt  }
0x4a: {  	_ =	shalt  }
0x4b: {  	_ =	shalt  }
0x4c: {  	_ =	shalt  }
0x4d: {  	_ =	shalt  }
0x4e: {  	_ =	shalt  }
0x4f: {  	_ =	shalt  }
0x50: {  	_ =	shalt  }
0x51: {  	_ =	shalt  }
0x52: {  	_ =	shalt  }
0x53: {  	_ =	shalt  }
0x54: {  	_ =	shalt  }
0x55: {  	_ =	shalt  }
0x56: {  	_ =	shalt  }
0x57: {  	_ =	shalt  }
0x58: {  	_ =	shalt  }
0x59: {  	_ =	shalt  }
0x5a: {  	_ =	shalt  }
0x5b: {  	_ =	shalt  }
0x5c: {  	_ =	shalt  }
0x5d: {  	_ =	shalt  }
0x5e: {  	_ =	shalt  }
0x5f: {  	_ =	shalt  }
0x60: {  	_ =	shalt  }
0x61: {  	_ =	shalt  }
0x62: {  	_ =	shalt  }
0x63: {  	_ =	shalt  }
0x64: {  	_ =	shalt  }
0x65: {  	_ =	shalt  }
0x66: {  	_ =	shalt  }
0x67: {  	_ =	shalt  }
0x68: {  	_ =	shalt  }
0x69: {  	_ =	shalt  }
0x6a: {  	_ =	shalt  }
0x6b: {  	_ =	shalt  }
0x6c: {  	_ =	shalt  }
0x6d: {  	_ =	shalt  }
0x6e: {  	_ =	shalt  }
0x6f: {  	_ =	shalt  }
0x70: {  	_ =	shalt  }
0x71: {  	_ =	shalt  }
0x72: {  	_ =	shalt  }
0x73: {  	_ =	shalt  }
0x74: {  	_ =	shalt  }
0x75: {  	_ =	shalt  }
0x76: {  	_ =	shalt  }
0x77: {  	_ =	shalt  }
0x78: {  	_ =	shalt  }
0x79: {  	_ =	shalt  }
0x7a: {  	_ =	shalt  }
0x7b: {  	_ =	shalt  }
0x7c: {  	_ =	shalt  }
0x7d: {  	_ =	shalt  }
0x7e: {  	_ =	shalt  }
0x7f: {  	_ =	shalt  }
0x80: {  	_ =	shalt  }
0x81: {  	_ =	shalt  }
0x82: {  	_ =	shalt  }
0x83: {  	_ =	shalt  }
0x84: {  	_ =	shalt  }
0x85: {  	_ =	shalt  }
0x86: {  	_ =	shalt  }
0x87: {  	_ =	shalt  }
.Lfunc_end0:
.L_simem_size_0:
called_computation_lowered:
.L_overlay_start_0:
0x88: {  	s2 =	sld [smem:$0x3FD9]  }
0x89: {  	s3 =	sld [smem:$0x3FFE];
	_ =	sdelay $0x1  }
0x8a: {  	s1 =	srdreg.scid  }
0x8b: {  	s0 =	sand.u32 $0x1, s1  }
0x8c: {  	s17 =	sshll.u32 s0, $0xA;
	s2 =	sadd.s32 s3, s2  }
0x8d: {  	s2 =	sadd.s32 s2, s17  }
0x8e: {  	[smem:$0x3FC6] =	sst s2  }
0x8f: {  	_ = 	snop  }
0x90: {  	s2 =	sld [smem:$0x3FC9];
	(tm) =	ssettm $0x1  }
0x91: {  	s18 =	sld [smem:$0x3FFB];
	_ =	sdelay $0x3  }
0x92: {  	_ =	strace s18  }
0x93: {  	s3 =	sld [smem:$0x3FFC];
	_ =	sdelay $0x3  }
0x94: {  	_ =	strace s3  }
0x95: {  	s3 =	sld [smem:$0x3FFD];
	_ =	sdelay $0x3  }
0x96: {  	_ =	strace s3  }
0x97: {  	_ =	strace $0x8FFFFFFF  }
0x98: {  	s19 =	sld [smem:$0x3FDB];
	_ =	sdelay $0x1  }
0x99: {  	s4 =	simm.s32 $_scs_section_size  }
0x9a: {  	s5 =	simm.s32 $_size__tile_overlayer_lowered;
	s6 =	simm.s32 $_tile_overlayer_lowered  }
0x9b: {  	s22 =	simm.s32 $0x1BFF;
	s21 =	sshll.u32 s6, $0x1;
	s3 =	sadd.s32 s4, s19  }
0x9c: {  	s7 =	simm.s32 $0x0;
	s20 =	sshll.u32 s5, $0x1;
	s5 =	sadd.s32 s21, s3  }
0x9d: {  	[timem:s7], [sflag:s22] =	dma.local [hbm:s5], s20  }
0x9e: {  	_ =	swait.ge [sflag:s22], s20  }
0x9f: {  	s4 =	ssub.s32 $0x0, s20;
	[sflag:s22] =	ssyncset.done $0x0  }
0xa0: {  	[sflag:s22] =	ssyncadd.s32 s4;
	_ =	sdelay $0x1  }
0xa1: {  	s23 =	simm.s32 $0x1B8B  }
0xa2: {  	_ =	swait.ge [sflag:s23], $0x1  }
0xa3: {  	[sflag:s23] =	ssyncset.done $0x0  }
0xa4: {  	s25 =	simm.s32 $0x1B8E;
	s24 =	sld [smem:$0x3FFE];
	[sflag:s23] =	ssyncadd.s32 $0xFFFFFFFF  }
0xa5: {  	s26 =	simm.s32 $execute0_lowered;
	[smem:$0x3FD2] =	sst s25  }
0xa6: {  	s5 =	sshll.u32 s26, $0x1;
	_ =	strace $0x80000046;
	[dreg:$0x1] =	wrdreg $0xFFFFFFFF  }
0xa7: {  	s28 =	simm.s32 $_size_execute0_lowered;
	s3 =	sadd.s32 s3, s5;
	[dreg:$0x0] =	wrdreg $0x0  }
0xa8: {  	s5 =	sshll.u32 s28, $0x1;
	[dreg:$0x2] =	wrdreg s3  }
0xa9: {  	[dreg:$0x3] =	wrdreg s5  }
0xaa: {  	[dreg:$0x4] =	wrdreg $0xC0  }
0xab: {  	_ =	task [dreg:s7], $0x5FFFF  }
0xac: {  	[dreg:$0x1] =	wrdreg $0xFFFFFFFF  }
0xad: {  	[dreg:$0x0] =	wrdreg $0x60  }
0xae: {  	[dreg:$0x2] =	wrdreg s2  }
0xaf: {  	[dreg:$0x3] =	wrdreg s24  }
0xb0: {  	[dreg:$0x4] =	wrdreg $0x9  }
0xb1: {  	_ =	task.clear_ibuf [dreg:s7], $0x5FFFF;
	_ =	strace $0x90000046  }
0xb2: {  	s29 =	simm.s32 $0x9;
	_ =	strace $0x80000048  }
0xb3: {  	_ =	swait.ge [sflag:s29], $0x1  }
0xb4: {  	[sflag:s29] =	ssyncadd.s32 $0xFFFFFFFF  }
0xb5: {  	_ =	strace $0x90000048  }
0xb6: {  	_ =	sfence  }
0xb7: {  	s30 =	sld [smem:$0x0];
	_ =	sdelay $0x2  }
0xb8: {  	s31 =	sshll.u32 s1, $0xD;
	s1 =	sshrl.u32 s1, $0x2  }
0xb9: {  	s3 =	sand.u32 $0x4000, s31;
	s1 =	sadd.s32 s1, s30  }
0xba: {  	s0 =	sor.u32 s3, s0;
	s1 =	sshll.u32 s1, $0x11  }
0xbb: {  	s0 =	sor.u32 s1, s0  }
0xbc: {  	s0 =	sadd.s32 $0x8F2B, s0  }
0xbd: {  	[sflag:s0] =	ssyncadd.remote.s32 $0x1  }
0xbe: {  	_ =	sfence.sel $0xFFFF  }
0xbf: {  	[dreg:$0x0] =	wrdreg $0xFFFFFFFF;
	(pc) =	sbr.abs _section_cstart, $3  }
0xc0: {  	[dreg:$0x1] =	wrdreg $0xFFFFFFFF  }
0xc1: {  	_ =	task.clear_ibuf [dreg:s7], $0x2FFFF;
	_ =	strace $0x9FFFFFFF  }
0xc2: {  	(tm) =	ssettm $0x7FFFFFFF  }
0xc3: {  	_ =	shalt  }
tec
execute0_lowered:
.L_overlay_start_1:
0x0: {  	(tag) =	ssettag $0x1  }
0x1: {  	s1 =	srdreg.scid  }
0x2: {  	s0 =	stileid.u32;
	s5 =	sand.u32 $0x1, s1  }
0x3: {  	s20 =	sshll.u32 s0, $0x9;
	s2 =	sshll.u32 s5, $0x8  }
0x4: {  	s4 =	sor.u32 s2, s20  }
0x5: {  	s1 =	sor.u32 $0x10, s4;
	s2 =	sor.u32 $0x20, s4  }
0x6: {  	v0 =	vlaneseq.u32;
	v1 =	vmov s4;
	s3 =	sor.u32 $0x30, s4;
	s21 =	sor.u32 $0x40, s4;
	s22 =	sor.u32 $0x50, s4  }
0x7: {  	v12 =	vmul.u32 $0x20, v0;
	v13 =	vand.u32 $0x7, v0;
	s23 =	sor.u32 $0x60, s4;
	s24 =	sor.u32 $0x70, s4;
	s25 =	sor.u32 $0x80, s4;
	v1 =	vshll.u32 v1, $0x5  }
0x8: {  	s26 =	sor.u32 $0x90, s4;
	s7 =	sor.u32 $0xA0, s4;
	s8 =	sor.u32 $0xB0, s4;
	v0 =	vmov s1;
	v2 =	vmov s3;
	v3 =	vmov s22  }
0x9: {  	s9 =	sor.u32 $0xC0, s4;
	s28 =	sshrl.u32 s4, $0x3;
	s11 =	sor.u32 $0xE0, s4;
	v5 =	vmov s23;
	v8 =	vmov s25;
	v9 =	vmov s26  }
0xa: {  	s29 =	sshll.u32 s4, $0x4;
	s10 =	sor.u32 $0xD0, s4;
	s4 =	sor.u32 $0xF0, s4;
	v10 =	vmov s8;
	v14 =	vmov s9;
	v16 =	vmov s11  }
0xb: {  	v17 =	vmov s4;
	v1 =	vor.u32 v12, v1;
	v0 =	vshll.u32 v0, $0x5  }
0xc: {  	v2 =	vshll.u32 v2, $0x5;
	v3 =	vshll.u32 v3, $0x5;
	v5 =	vshll.u32 v5, $0x5  }
0xd: {  	v8 =	vshll.u32 v8, $0x5;
	v9 =	vshll.u32 v9, $0x5;
	v10 =	vshll.u32 v10, $0x5  }
0xe: {  	v14 =	vshll.u32 v14, $0x5;
	v16 =	vshll.u32 v16, $0x5;
	v17 =	vshll.u32 v17, $0x5  }
0xf: {  	v1 =	vand.u32 $0x7FFFE100, v1;
	v0 =	vor.u32 v12, v0;
	v2 =	vor.u32 v12, v2  }
0x10: {  	v3 =	vor.u32 v12, v3;
	v5 =	vor.u32 v12, v5;
	v8 =	vor.u32 v12, v8  }
0x11: {  	v9 =	vor.u32 v12, v9;
	v10 =	vor.u32 v12, v10;
	v14 =	vor.u32 v12, v14  }
0x12: {  	v16 =	vor.u32 v12, v16;
	v4 =	vor.u32 v13, v1;
	v1 =	vmov s2  }
0x13: {  	v0 =	vand.u32 $0x7FFFFF00, v0;
	v2 =	vand.u32 $0x7FFFFF00, v2;
	v3 =	vand.u32 $0x7FFFFF00, v3  }
0x14: {  	v7 =	vand.u32 $0x7FFFFF00, v5;
	v8 =	vand.u32 $0x7FFFFF00, v8;
	v9 =	vand.u32 $0x7FFFFF00, v9  }
0x15: {  	v10 =	vand.u32 $0x7FFFFF00, v10;
	v15 =	vand.u32 $0x7FFFFF00, v14;
	v1 =	vshll.u32 v1, $0x5  }
0x16: {  	v11 =	vor.u32 v13, v8;
	v8 =	vmov s7;
	v1 =	vor.u32 v12, v1  }
0x17: {  	v16 =	vand.u32 $0x7FFFFF00, v16;
	v8 =	vshll.u32 v8, $0x5;
	v1 =	vand.u32 $0x7FFFFF00, v1  }
0x18: {  	s5 =	ssub.s32 $0x2, s5;
	v6 =	vor.u32 v13, v0;
	v8 =	vor.u32 v12, v8;
	v0 =	vor.u32 v13, v1  }
0x19: {  	s30 =	sshrl.u32 s5, $0x1;
	v1 =	vor.u32 v13, v2;
	v2 =	vmov s21;
	v8 =	vand.u32 $0x7FFFFF00, v8  }
0x1a: {  	s6 =	rddreg [dreg:$0x1];
	s31 =	ssub.s32 s5, s30;
	v3 =	vor.u32 v13, v3;
	v2 =	vshll.u32 v2, $0x5;
	v14 =	vor.u32 v13, v8  }
0x1b: {  	p0 =	por $0x0, $0x0;
	s1 =	rddreg [dreg:$0x2];
	s13 =	smax.u32 s31, $0x1;
	v8 =	vor.u32 v13, v15;
	v15 =	vmov s10;
	v2 =	vor.u32 v12, v2  }
0x1c: {  	s3 =	simm.s32 $0x0;
	s4 =	simm.s32 $0x2;
	p1 =	sne.s32 s13, $0x1;
	v9 =	vor.u32 v13, v9;
	v15 =	vshll.u32 v15, $0x5;
	v2 =	vand.u32 $0x7FFFFF00, v2  }
.Ltmp0:
0x1d: {  	s8 =	simm.s32 $0x100;
	s9 =	simm.s32 $0x180;
	v5 =	vor.u32 v13, v2;
	v2 =	vor.u32 v13, v7;
	v7 =	vmov s24;
	(pc) =	sbr.rel @!p1 .LBB2_3-.Ltmp0, $4  }
0x1e: {  	s11 =	simm.s32 $0x4200;
	[smem:$0x7FF] =	sst s3;
	s13 =	sadd.s32 $0xFFFFFFFF, s13;
	v10 =	vor.u32 v13, v10;
	v15 =	vor.u32 v12, v15;
	v7 =	vshll.u32 v7, $0x5  }
0x1f: {  	s2 =	rddreg [dreg:$0x0];
	s7 =	sadd.s32 s28, s6;
	s6 =	sadd.s32 s29, s6;
	v15 =	vand.u32 $0x7FFFFF00, v15;
	v7 =	vor.u32 v12, v7;
	v12 =	vor.u32 v12, v17  }
0x20: {  	_ =	strace $0x80000047;
	s12 =	sadd.s32 $0x400, s7;
	s5 =	sadd.s32 $0x800, s6;
	v15 =	vor.u32 v13, v15;
	v7 =	vand.u32 $0x7FFFFF00, v7;
	v17 =	vand.u32 $0x7FFFFF00, v12  }
0x21: {  	s7 =	simm.s32 $0x80;
	s6 =	simm.s32 $0x200;
	s10 =	simm.s32 $0x1;
	v12 =	vor.u32 v13, v16;
	v7 =	vor.u32 v13, v7;
	v13 =	vor.u32 v13, v17  }
0x22: {  	[tilespmem:s3], [sflag:$0x2] =	stream.linear.gather [hbm4b:s12+s3], $0x100, $0x38;
	[tilespmem:$0x8200] =	vst v63  }
0x23: {  	_ =	swait.ge [sflag:s4], $0x100  }
0x24: {  	[sflag:s4] =	ssyncset.done $0x0  }
0x25: {  	[sflag:s4] =	ssyncadd.s32 $0xFFFFFF00  }
0x26: {  	v16 =	vld [tilespmem:$0x10]  }
0x27: {  	v17 =	vld [tilespmem:$0x90]  }
0x28: {  	v18 =	vld [tilespmem:$0x80]  }
0x29: {  	v19 =	vld [tilespmem:$0x70]  }
0x2a: {  	v20 =	vld [tilespmem:$0xA0]  }
0x2b: {  	v23 =	vld [tilespmem:$0xD0]  }
0x2c: {  	v21 =	vld [tilespmem:$0x0];
	v16 =	vshrl.u32 v16, $0x4  }
0x2d: {  	v22 =	vld [tilespmem:$0x60];
	v17 =	vshrl.u32 v17, $0x4;
	v16 =	vand.u32 $0xFFFFFF8, v16  }
0x2e: {  	v24 =	vld [tilespmem:$0xB0];
	v18 =	vshrl.u32 v18, $0x4;
	v17 =	vand.u32 $0xFFFFFF8, v17;
	v16 =	vadd.s32 v6, v16  }
0x2f: {  	v25 =	vld [tilespmem:$0x40];
	v19 =	vshrl.u32 v19, $0x4;
	v18 =	vand.u32 $0xFFFFFF8, v18;
	v17 =	vadd.s32 v9, v17;
	[tilespmem:$0x110] =	vst v16  }
0x30: {  	v23 =	vshrl.u32 v23, $0x4;
	v18 =	vadd.s32 v11, v18;
	v16 =	vand.u32 $0xFFFFFF8, v19;
	[tilespmem:$0x190] =	vst v17;
	v17 =	vld [tilespmem:$0xF0]  }
0x31: {  	v19 =	vshrl.u32 v20, $0x4;
	v20 =	vshrl.u32 v21, $0x4;
	v21 =	vadd.s32 v7, v16  }
0x32: {  	[tilespmem:$0x180] =	vst v18;
	v18 =	vld [tilespmem:$0xC0];
	v16 =	vand.u32 $0xFFFFFF8, v19;
	v19 =	vand.u32 $0xFFFFFF8, v20;
	v20 =	vshrl.u32 v22, $0x4  }
0x33: {  	v16 =	vadd.s32 v14, v16;
	v19 =	vadd.s32 v4, v19;
	v20 =	vand.u32 $0xFFFFFF8, v20;
	[tilespmem:$0x170] =	vst v21  }
0x34: {  	v22 =	vld [tilespmem:$0x30];
	v21 =	vand.u32 $0xFFFFFF8, v23;
	[tilespmem:$0x1A0] =	vst v16;
	v16 =	vadd.s32 v2, v20;
	v20 =	vshrl.u32 v24, $0x4  }
0x35: {  	v26 =	vld [tilespmem:$0x20];
	[tilespmem:$0x100] =	vst v19;
	v19 =	vshrl.u32 v25, $0x4;
	v21 =	vadd.s32 v15, v21;
	v17 =	vshrl.u32 v17, $0x4  }
0x36: {  	p1 =	sne.s32 s13, $0x1;
	v23 =	vld [tilespmem:$0xE0];
	v20 =	vand.u32 $0xFFFFFF8, v20;
	v19 =	vand.u32 $0xFFFFFF8, v19;
	v17 =	vand.u32 $0xFFFFFF8, v17  }
.Ltmp1:
0x37: {  	[tilespmem:$0x1D0] =	vst v21;
	v20 =	vadd.s32 v10, v20;
	v18 =	vshrl.u32 v18, $0x4;
	v21 =	vadd.s32 v13, v17;
	v17 =	vld [tilespmem:$0x50];
	(pc) =	sbr.rel @!p1 .LBB2_3-.Ltmp1, $4  }
0x38: {  	v19 =	vadd.s32 v5, v19;
	[tilespmem:$0x1B0] =	vst v20;
	v18 =	vand.u32 $0xFFFFFF8, v18  }
0x39: {  	v20 =	vshrl.u32 v22, $0x4;
	[tilespmem:$0x140] =	vst v19;
	v18 =	vadd.s32 v8, v18  }
0x3a: {  	v19 =	vshrl.u32 v26, $0x4;
	v20 =	vand.u32 $0xFFFFFF8, v20;
	[tilespmem:$0x1C0] =	vst v18  }
0x3b: {  	s13 =	sadd.s32 $0xFFFFFFFF, s13;
	p0 =	por $0x1, $0x1;
	v18 =	vand.u32 $0xFFFFFF8, v19;
	v19 =	vadd.s32 v1, v20;
	v20 =	vshrl.u32 v23, $0x4;
	[tilespmem:$0x1F0] =	vst v21  }
.LBB2_2:
0x3c: {  	p1 =	sne.s32 s13, $0x1;
	s13 =	sadd.s32 $0xFFFFFFFF, s13;
	v18 =	vadd.s32 v0, v18;
	[tilespmem:$0x130] =	vst v19;
	v17 =	vshrl.u32 v17, $0x4;
	v19 =	vand.u32 $0xFFFFFF8, v20  }
0x3d: {  	[tilespmem:$0x120] =	vst v18;
	v17 =	vand.u32 $0xFFFFFF8, v17;
	v18 =	vadd.s32 v12, v19  }
0x3e: {  	v17 =	vadd.s32 v3, v17;
	[tilespmem:$0x1E0] =	vst v18  }
0x3f: {  	[tilespmem:$0x150] =	vst v17  }
0x40: {  	[tilespmem:$0x160] =	vst v16  }
0x41: {  	[tilespmem:s6], [sflag:$0x1] =	stream.indirect.gather [hbm4b:s2+s7], $0x80, s8, s7, $0xb8;
	[tilespmem:$0x8200] =	vst v63  }
0x42: {  	_ = 	snop  }
0x43: {  	[tilespmem:s11], [sflag:$0x1] =	stream.indirect.gather [hbm4b:s2+s7], $0x80, s9, s7, $0xb8;
	[tilespmem:$0x8200] =	vst v63  }
0x44: {  	_ =	swait.ge [sflag:s10], $0x4000  }
0x45: {  	[sflag:s10] =	ssyncset.done $0x0  }
0x46: {  	[sflag:s10] =	ssyncadd.s32 $0xFFFFC000  }
0x47: {  	_ =	swait.ge [sflag:s10], $0x4000  }
0x48: {  	[sflag:s10] =	ssyncset.done $0x0  }
0x49: {  	[sflag:s10] =	ssyncadd.s32 $0xFFFFC000  }
0x4a: {  	[hbm4b:s5+s3] =	stream.linear.scatter [tilespmem:s6], [sflag:$0x2], $0x8000, $0x38;
	[tilespmem:$0x8200] =	vst v63  }
0x4b: {  	_ =	swait.ge [sflag:s4], $0x8000  }
0x4c: {  	[sflag:s4] =	ssyncset.done $0x0  }
0x4d: {  	[sflag:s4] =	ssyncadd.s32 $0xFFFF8000  }
0x4e: {  	[tilespmem:s3], [sflag:$0x2] =	stream.linear.gather [hbm4b:s12+s3], $0x100, $0x38;
	[tilespmem:$0x8200] =	vst v63  }
0x4f: {  	_ =	swait.ge [sflag:s4], $0x100  }
0x50: {  	[sflag:s4] =	ssyncset.done $0x0  }
0x51: {  	[sflag:s4] =	ssyncadd.s32 $0xFFFFFF00  }
0x52: {  	v16 =	vld [tilespmem:$0x10]  }
0x53: {  	v17 =	vld [tilespmem:$0x90]  }
0x54: {  	v18 =	vld [tilespmem:$0x80]  }
0x55: {  	v19 =	vld [tilespmem:$0x70]  }
0x56: {  	v20 =	vld [tilespmem:$0xA0]  }
0x57: {  	v21 =	vld [tilespmem:$0x0];
	v16 =	vshrl.u32 v16, $0x4  }
0x58: {  	v16 =	vand.u32 $0xFFFFFF8, v16;
	v22 =	vld [tilespmem:$0x60];
	v17 =	vshrl.u32 v17, $0x4  }
0x59: {  	v16 =	vadd.s32 v6, v16;
	v18 =	vshrl.u32 v18, $0x4;
	v17 =	vand.u32 $0xFFFFFF8, v17;
	v23 =	vld [tilespmem:$0xD0]  }
0x5a: {  	v19 =	vshrl.u32 v19, $0x4;
	v18 =	vand.u32 $0xFFFFFF8, v18;
	v17 =	vadd.s32 v9, v17;
	v24 =	vld [tilespmem:$0xB0]  }
0x5b: {  	[tilespmem:$0x110] =	vst v16;
	v25 =	vld [tilespmem:$0x40];
	v16 =	vand.u32 $0xFFFFFF8, v19;
	v18 =	vadd.s32 v11, v18;
	v19 =	vshrl.u32 v20, $0x4  }
0x5c: {  	v20 =	vshrl.u32 v21, $0x4;
	v21 =	vadd.s32 v7, v16;
	[tilespmem:$0x180] =	vst v18;
	v16 =	vand.u32 $0xFFFFFF8, v19;
	v18 =	vld [tilespmem:$0xC0]  }
0x5d: {  	v19 =	vand.u32 $0xFFFFFF8, v20;
	v20 =	vshrl.u32 v22, $0x4;
	[tilespmem:$0x190] =	vst v17;
	v16 =	vadd.s32 v14, v16;
	v22 =	vld [tilespmem:$0xF0]  }
0x5e: {  	v17 =	vadd.s32 v4, v19;
	v19 =	vld [tilespmem:$0x30];
	v20 =	vand.u32 $0xFFFFFF8, v20;
	[tilespmem:$0x1A0] =	vst v16;
	v23 =	vshrl.u32 v23, $0x4  }
0x5f: {  	v26 =	vld [tilespmem:$0x20];
	v16 =	vadd.s32 v2, v20;
	[tilespmem:$0x170] =	vst v21;
	v20 =	vshrl.u32 v24, $0x4;
	v21 =	vand.u32 $0xFFFFFF8, v23  }
0x60: {  	[tilespmem:$0x100] =	vst v17;
	v17 =	vshrl.u32 v25, $0x4;
	v20 =	vand.u32 $0xFFFFFF8, v20;
	v21 =	vadd.s32 v15, v21;
	v23 =	vld [tilespmem:$0xE0]  }
.Ltmp2:
0x61: {  	v24 =	vand.u32 $0xFFFFFF8, v17;
	v17 =	vld [tilespmem:$0x50];
	v20 =	vadd.s32 v10, v20;
	v18 =	vshrl.u32 v18, $0x4;
	[tilespmem:$0x1D0] =	vst v21;
	(pc) =	sbr.rel @p1 .LBB2_2-.Ltmp2, $4  }
0x62: {  	v21 =	vadd.s32 v5, v24;
	[tilespmem:$0x1B0] =	vst v20;
	v18 =	vand.u32 $0xFFFFFF8, v18;
	v20 =	vshrl.u32 v22, $0x4  }
0x63: {  	v19 =	vshrl.u32 v19, $0x4;
	[tilespmem:$0x140] =	vst v21;
	v18 =	vadd.s32 v8, v18;
	v20 =	vand.u32 $0xFFFFFF8, v20  }
0x64: {  	v21 =	vshrl.u32 v26, $0x4;
	v19 =	vand.u32 $0xFFFFFF8, v19;
	[tilespmem:$0x1C0] =	vst v18;
	v22 =	vadd.s32 v13, v20  }
0x65: {  	v18 =	vand.u32 $0xFFFFFF8, v21;
	v19 =	vadd.s32 v1, v19;
	v20 =	vshrl.u32 v23, $0x4;
	[tilespmem:$0x1F0] =	vst v22  }
.LBB2_3:
0x66: {  	[tilespmem:$0x130] =	vst @p0 v19  }
0x67: {  	v18 =	vadd.s32 @p0 v0, v18;
	v17 =	vshrl.u32 @p0 v17, $0x4;
	v19 =	vand.u32 @p0 $0xFFFFFF8, v20;
	[tilespmem:$0x160] =	vst @p0 v16  }
0x68: {  	[tilespmem:$0x120] =	vst @p0 v18;
	v17 =	vand.u32 @p0 $0xFFFFFF8, v17;
	v18 =	vadd.s32 @p0 v12, v19  }
0x69: {  	v17 =	vadd.s32 @p0 v3, v17;
	[tilespmem:$0x1E0] =	vst @p0 v18  }
0x6a: {  	[tilespmem:$0x150] =	vst @p0 v17  }
0x6b: {  	[tilespmem:s6], [sflag:$0x1] =	stream.indirect.gather @p0 [hbm4b:s2+s7], $0x80, s8, s7, $0xb8;
	[tilespmem:$0x8200] =	vst v63  }
0x6c: {  	_ = 	snop  }
0x6d: {  	[tilespmem:s11], [sflag:$0x1] =	stream.indirect.gather @p0 [hbm4b:s2+s7], $0x80, s9, s7, $0xb8;
	[tilespmem:$0x8200] =	vst v63  }
0x6e: {  	_ =	swait.ge @p0 [sflag:s10], $0x4000  }
0x6f: {  	[sflag:s10] =	ssyncset.done @p0 $0x0  }
0x70: {  	[sflag:s10] =	ssyncadd.s32 @p0 $0xFFFFC000  }
0x71: {  	_ =	swait.ge @p0 [sflag:s10], $0x4000  }
0x72: {  	[sflag:s10] =	ssyncset.done @p0 $0x0  }
0x73: {  	[sflag:s10] =	ssyncadd.s32 @p0 $0xFFFFC000  }
0x74: {  	[hbm4b:s5+s3] =	stream.linear.scatter @p0 [tilespmem:s6], [sflag:$0x2], $0x8000, $0x38;
	[tilespmem:$0x8200] =	vst v63  }
0x75: {  	_ =	swait.ge @p0 [sflag:s4], $0x8000  }
0x76: {  	[sflag:s4] =	ssyncset.done @p0 $0x0  }
0x77: {  	[sflag:s4] =	ssyncadd.s32 @p0 $0xFFFF8000  }
0x78: {  	[tilespmem:s3], [sflag:$0x2] =	stream.linear.gather [hbm4b:s12+s3], $0x100, $0x38;
	[tilespmem:$0x8200] =	vst v63  }
0x79: {  	_ =	swait.ge [sflag:s4], $0x100  }
0x7a: {  	[sflag:s4] =	ssyncset.done $0x0  }
0x7b: {  	[sflag:s4] =	ssyncadd.s32 $0xFFFFFF00  }
0x7c: {  	v59 =	vld [tilespmem:$0x10]  }
0x7d: {  	v60 =	vld [tilespmem:$0x80]  }
0x7e: {  	v61 =	vld [tilespmem:$0x90]  }
0x7f: {  	v62 =	vld [tilespmem:$0xA0]  }
0x80: {  	v63 =	vld [tilespmem:$0x70]  }
0x81: {  	v21 =	vld [tilespmem:$0x0];
	v16 =	vshrl.u32 v59, $0x4  }
0x82: {  	v29 =	vld [tilespmem:$0xC0];
	v17 =	vshrl.u32 v60, $0x4;
	v16 =	vand.u32 $0xFFFFFF8, v16  }
0x83: {  	v33 =	vld [tilespmem:$0xF0];
	v18 =	vshrl.u32 v61, $0x4;
	v23 =	vand.u32 $0xFFFFFF8, v17;
	v6 =	vadd.s32 v6, v16  }
0x84: {  	v35 =	vld [tilespmem:$0x30];
	v26 =	vshrl.u32 v62, $0x4;
	v18 =	vand.u32 $0xFFFFFF8, v18;
	v11 =	vadd.s32 v11, v23;
	[tilespmem:$0x110] =	vst v6  }
0x85: {  	v37 =	vld [tilespmem:$0x20];
	v27 =	vshrl.u32 v63, $0x4;
	v28 =	vand.u32 $0xFFFFFF8, v26;
	v9 =	vadd.s32 v9, v18;
	[tilespmem:$0x180] =	vst v11  }
0x86: {  	v42 =	vld [tilespmem:$0xE0];
	v31 =	vshrl.u32 v21, $0x4;
	v30 =	vand.u32 $0xFFFFFF8, v27;
	v32 =	vadd.s32 v14, v28;
	[tilespmem:$0x190] =	vst v9  }
0x87: {  	v43 =	vld [tilespmem:$0x50];
	v44 =	vshrl.u32 v29, $0x4;
	v34 =	vand.u32 $0xFFFFFF8, v31;
	v7 =	vadd.s32 v7, v30;
	[tilespmem:$0x1A0] =	vst v32  }
0x88: {  	v45 =	vld [tilespmem:$0x60];
	v47 =	vshrl.u32 v33, $0x4;
	v46 =	vand.u32 $0xFFFFFF8, v44;
	v4 =	vadd.s32 v4, v34;
	[tilespmem:$0x170] =	vst v7  }
0x89: {  	v24 =	vld [tilespmem:$0xB0];
	v48 =	vshrl.u32 v35, $0x4;
	v50 =	vand.u32 $0xFFFFFF8, v47;
	v49 =	vadd.s32 v8, v46;
	[tilespmem:$0x100] =	vst v4  }
0x8a: {  	v22 =	vld [tilespmem:$0xD0];
	v51 =	vshrl.u32 v37, $0x4;
	v52 =	vand.u32 $0xFFFFFF8, v48;
	v53 =	vadd.s32 v13, v50;
	[tilespmem:$0x1C0] =	vst v49  }
0x8b: {  	v25 =	vld [tilespmem:$0x40];
	v55 =	vshrl.u32 v42, $0x4;
	v54 =	vand.u32 $0xFFFFFF8, v51;
	v1 =	vadd.s32 v1, v52;
	[tilespmem:$0x1F0] =	vst v53  }
0x8c: {  	v57 =	vshrl.u32 v43, $0x4;
	v58 =	vand.u32 $0xFFFFFF8, v55;
	v56 =	vadd.s32 v0, v54;
	[tilespmem:$0x130] =	vst v1  }
0x8d: {  	v59 =	vshrl.u32 v45, $0x4;
	v60 =	vand.u32 $0xFFFFFF8, v57;
	v61 =	vadd.s32 v12, v58;
	[tilespmem:$0x120] =	vst v56  }
0x8e: {  	v38 =	vshrl.u32 v24, $0x4;
	v62 =	vand.u32 $0xFFFFFF8, v59;
	v0 =	vadd.s32 v3, v60;
	[tilespmem:$0x1E0] =	vst v61  }
0x8f: {  	v36 =	vshrl.u32 v22, $0x4;
	v40 =	vand.u32 $0xFFFFFF8, v38;
	v63 =	vadd.s32 v2, v62;
	[tilespmem:$0x150] =	vst v0  }
0x90: {  	v39 =	vshrl.u32 v25, $0x4;
	v9 =	vand.u32 $0xFFFFFF8, v36;
	v6 =	vadd.s32 v10, v40;
	[tilespmem:$0x160] =	vst v63  }
0x91: {  	v4 =	vand.u32 $0xFFFFFF8, v39;
	v41 =	vadd.s32 v15, v9;
	[tilespmem:$0x1B0] =	vst v6  }
0x92: {  	v4 =	vadd.s32 v5, v4;
	[tilespmem:$0x1D0] =	vst v41  }
0x93: {  	[tilespmem:$0x140] =	vst v4  }
0x94: {  	[tilespmem:s6], [sflag:$0x1] =	stream.indirect.gather [hbm4b:s2+s7], $0x80, s8, s7, $0xb8;
	[tilespmem:$0x8200] =	vst v63  }
0x95: {  	_ = 	snop  }
0x96: {  	[tilespmem:s11], [sflag:$0x1] =	stream.indirect.gather [hbm4b:s2+s7], $0x80, s9, s7, $0xb8;
	[tilespmem:$0x8200] =	vst v63  }
0x97: {  	_ =	swait.ge [sflag:s10], $0x4000  }
0x98: {  	[sflag:s10] =	ssyncset.done $0x0  }
0x99: {  	[sflag:s10] =	ssyncadd.s32 $0xFFFFC000  }
0x9a: {  	_ =	swait.ge [sflag:s10], $0x4000  }
0x9b: {  	[sflag:s10] =	ssyncset.done $0x0  }
0x9c: {  	[sflag:s10] =	ssyncadd.s32 $0xFFFFC000  }
0x9d: {  	[hbm4b:s5+s3] =	stream.linear.scatter [tilespmem:s6], [sflag:$0x2], $0x8000, $0x38;
	[tilespmem:$0x8200] =	vst v63  }
0x9e: {  	_ =	swait.ge [sflag:s4], $0x8000  }
0x9f: {  	[sflag:s4] =	ssyncset.done $0x0  }
0xa0: {  	[sflag:s4] =	ssyncadd.s32 $0xFFFF8000  }
0xa1: {  	_ =	sfence.sel $0x180000  }
0xa2: {  	[bflag:$0x0] =	sbarrier.arrive $0xFFFF  }
0xa3: {  	p0 =	sne.s32 s0, $0x0;
	_ =	strace $0x90000047  }
0xa4: {  	s0 =	sadd.s32 @!p0 $0x100000, s1;
	[bflag:$0x2] =	sbarrier.arrive $0xFFFF  }
0xa5: {  	[sflag:s0] =	ssyncadd.tile.s32 @!p0 $0x1;
	_ =	shalt  }
.Lfunc_end2:
_tile_overlayer_lowered:
.L_overlay_start_2:
0xa6: {  	(tag) =	ssettag $0x2  }
0xa7: {  	s0 =	rddreg [dreg:$0x0];
	s2 =	stileid.u32  }
0xa8: {  	s1 =	rddreg [dreg:$0x1];
	p0 =	sne.s32 s2, $0x0  }
0xa9: {  	s3 =	rddreg [dreg:$0x2];
	[bflag:$0x3] =	sbarrier.arrive $0xFFFF;
	s2 =	simm.s32 @!p0 $0x1C02  }
0xaa: {  	[timem:s3], [sflag:s2] =	dma.local @!p0 [hbm:s0], s1  }
0xab: {  	s0 =	simm.s32 @!p0 $0x2  }
0xac: {  	_ =	swait.ge @!p0 [sflag:s0], s1  }
0xad: {  	s1 =	ssub.s32 @!p0 $0x0, s1;
	[sflag:s0] =	ssyncset.done @!p0 $0x0  }
0xae: {  	[sflag:s0] =	ssyncadd.s32 @!p0 s1  }
0xaf: {  	[bflag:$0x3] =	sbarrier.arrive $0xFFFF  }
0xb0: {  	_ =	shalt  }

</sc_bundles>
